<compile_context>
chip_gen: v7x
topology: tpu7x:2x2x1
jax: 0.10.2.dev20260603
libtpu: 0.0.44.dev20260713+nightly
codegen_flags: <defaults>
</compile_context>

<pallas_src>
import functools

import jax
import jax.numpy as jnp
from jax import lax
from jax.experimental import pallas as pl
from jax.experimental.pallas import tpu as pltpu
from jax.experimental.pallas import tpu_sc as plsc

_N, _n, _K, _T = 16, 512, 2, 1000
_ROWS = 512
_F32 = jnp.float32


def _threefry_u64_to_gumbel(cnt):
    u32 = jnp.uint32
    x0 = jnp.zeros_like(cnt)
    x1 = cnt + u32(1)
    ks = (u32(0), u32(1), u32(0x1BD11BDB))
    rot = ((13, 15, 26, 6), (17, 29, 16, 24))
    keys = (ks[1], ks[2], ks[0], ks[1], ks[2], ks[0])
    for i in range(5):
        for r in rot[i % 2]:
            x0 = x0 + x1
            x1 = (x1 << u32(r)) | (x1 >> u32(32 - r))
            x1 = x1 ^ x0
        x0 = x0 + keys[i]
        x1 = x1 + keys[i + 1] + u32(i + 1)
    u = (x0.astype(jnp.int32).astype(_F32) * _F32(2.0**-32)
         + jnp.where(x0.astype(jnp.int32) < 0, _F32(1.0), _F32(0.0))
         + (x1 >> u32(12)).astype(jnp.int32).astype(_F32) * _F32(2.0**-52))
    u = jnp.minimum(u, _F32(1.0 - 2.0**-25))
    return -jnp.log(-jnp.log(u))


def _sc_table(t_hbm, qs0, qs1, qs2, qs3, qb0, qb1, qb2, qb3, out_hbm,
              tv, tm1v, l0v, l1v, l2v, l3v, r0v, r1v, r2v, r3v, wv, sem):
    wid = lax.axis_index("s") * 2 + lax.axis_index("c")

    @pl.when(wid == 0)
    def _():
        pltpu.sync_copy(t_hbm, tv)
        tm1v[...] = jnp.where(tv[...] > 0, tv[...] - 1, _T)
        for src, idx, dst in ((qs0, tv, l0v), (qs1, tv, l1v),
                              (qs2, tv, l2v), (qs3, tv, l3v),
                              (qb0, tm1v, r0v), (qb1, tm1v, r1v),
                              (qb2, tm1v, r2v), (qb3, tm1v, r3v)):
            pltpu.async_copy(src.at[idx], dst, sem).wait()
        l00, l01, l10, l11 = l0v[...], l1v[...], l2v[...], l3v[...]
        r00, r01, r10, r11 = r0v[...], r1v[...], r2v[...], r3v[...]
        d00 = l00 * r00 + l10 * r01
        d01 = l00 * r10 + l10 * r11
        d10 = l01 * r00 + l11 * r01
        d11 = l01 * r10 + l11 * r11
        wv[0, :] = l00 * r00 / d00
        wv[1, :] = l10 * r01 / d00
        wv[2, :] = l00 * r10 / d01
        wv[3, :] = l10 * r11 / d01
        wv[4, :] = l01 * r00 / d10
        wv[5, :] = l11 * r01 / d10
        wv[6, :] = l01 * r10 / d11
        wv[7, :] = l11 * r11 / d11
        pltpu.sync_copy(wv, out_hbm)


def _kern(t_ref, w_ref, x_ref, p_ref, o_ref):
    b = pl.program_id(0)
    rb = pl.program_id(1)
    tb = t_ref[b]
    w0_00 = w_ref[0, b]
    w0_01 = w_ref[1, b]
    w0_10 = w_ref[2, b]
    w0_11 = w_ref[3, b]
    w1_00 = w_ref[4, b]
    w1_01 = w_ref[5, b]
    w1_10 = w_ref[6, b]
    w1_11 = w_ref[7, b]

    x = x_ref[0]
    p0 = p_ref[0, :, 0, :]
    p1 = p_ref[0, :, 1, :]
    dl = p1 - p0
    e = jnp.exp(-dl)
    s1 = _F32(1.0) / (_F32(1.0) + e)
    s0 = e * s1

    is0 = x == 0
    a0 = jnp.where(is0, s0 * w0_00 + s1 * w0_10, s0 * w1_00 + s1 * w1_10)
    a1 = jnp.where(is0, s0 * w0_01 + s1 * w0_11, s0 * w1_01 + s1 * w1_11)

    base = (b * _n + rb * _ROWS) * _n
    pos = (jnp.uint32(base)
           + jax.lax.broadcasted_iota(jnp.uint32, (_ROWS, _n), 0) * jnp.uint32(_n)
           + jax.lax.broadcasted_iota(jnp.uint32, (_ROWS, _n), 1))
    g0 = _threefry_u64_to_gumbel(pos * jnp.uint32(2))
    g1 = _threefry_u64_to_gumbel(pos * jnp.uint32(2) + jnp.uint32(1))

    sc0 = jnp.log(jnp.maximum(a0, _F32(1e-30))) + g0
    sc1 = jnp.log(jnp.maximum(a1, _F32(1e-30))) + g1
    samp = sc1 > sc0
    x0m = s1 > s0
    o_ref[0] = jnp.where(tb > 0, samp.astype(jnp.int32), x0m.astype(jnp.int32))


def kernel(x_t, pred, t, Qs, Qbs):
    t32 = t.astype(jnp.int32)
    qs = Qs.astype(_F32).reshape(_T, 4)
    qbs = Qbs.astype(_F32).reshape(_T + 1, 4)
    x32 = x_t.astype(jnp.int32)
    pt = pred.transpose(0, 1, 3, 2)

    mesh = plsc.VectorSubcoreMesh(core_axis_name="c", subcore_axis_name="s")
    sc_table = functools.partial(
        pl.kernel, mesh=mesh,
        out_type=jax.ShapeDtypeStruct((8, _N), _F32),
        scratch_types=(
            [pltpu.VMEM((_N,), jnp.int32)] * 2
            + [pltpu.VMEM((_N,), _F32)] * 8
            + [pltpu.VMEM((8, _N), _F32), pltpu.SemaphoreType.DMA]
        ),
    )(_sc_table)
    w_tab = sc_table(t32, qs[:, 0], qs[:, 1], qs[:, 2], qs[:, 3],
                     qbs[:, 0], qbs[:, 1], qbs[:, 2], qbs[:, 3])

    nb = _n // _ROWS
    _i32 = jnp.int32
    _imap = lambda b, r: (_i32(b), _i32(r), _i32(0))
    out32 = pl.pallas_call(
        _kern,
        grid=(_N, nb),
        in_specs=[
            pl.BlockSpec((_N,), lambda b, r: (_i32(0),), memory_space=pltpu.SMEM),
            pl.BlockSpec((8, _N), lambda b, r: (_i32(0), _i32(0)), memory_space=pltpu.SMEM),
            pl.BlockSpec((1, _ROWS, _n), _imap),
            pl.BlockSpec((1, _ROWS, _K, _n), lambda b, r: (_i32(b), _i32(r), _i32(0), _i32(0))),
        ],
        out_specs=pl.BlockSpec((1, _ROWS, _n), _imap),
        out_shape=jax.ShapeDtypeStruct((_N, _n, _n), jnp.int32),
    )(t32, w_tab, x32, pt)
    return out32.astype(x_t.dtype)

# --- scband reference (transcript-rebuilt; emitter-appended) ---
"""Pipeline reference for scband-categorical-diffusion-4380866642588 (READ-ONLY COPY).

The authoritative reference and input builder live on the scoring server;
editing this copy changes nothing except your own understanding.
"""

import jax, jax.numpy as jnp
import numpy as np

jax.config.update("jax_enable_x64", True)

NUM_CATEGORIES = 2
NUM_STEPS = 1000


def _make_buffers():
    K = NUM_CATEGORIES
    T = NUM_STEPS
    qT = np.ones(K) / K
    steps = np.arange(T + 1, dtype=np.float64) / T
    alphas_bar = np.cos((steps + 0.008) / 1.008 * np.pi / 2)
    betas = np.minimum(1 - alphas_bar[1:] / alphas_bar[:-1], 0.999)
    Qs = (1 - betas)[:, None, None] * np.eye(K) + betas[:, None, None] * qT[None, :, None]
    Qbs = alphas_bar[:, None, None] * np.eye(K) + (1 - alphas_bar)[:, None, None] * qT[None, :, None]
    return jnp.asarray(Qs, dtype=jnp.float64), jnp.asarray(Qbs, dtype=jnp.float64)


def setup_inputs(seed: int = 0) -> dict:
    key = jax.random.key(seed)
    k1, k2, k3 = jax.random.split(key, 3)
    N, n, K = 16, 512, NUM_CATEGORIES
    x_t = jax.random.randint(k1, (N, n, n), 0, K, dtype=jnp.int64)
    pred = jax.random.normal(k2, (N, n, n, K), dtype=jnp.float32)
    t = jax.random.randint(k3, (N,), 0, NUM_STEPS, dtype=jnp.int64)
    Qs, Qbs = _make_buffers()
    return {"x_t": x_t, "pred": pred, "t": t, "Qs": Qs, "Qbs": Qbs}


def sample_categorical(key, probs):
    # th.multinomial(probs, 1) over last dim == categorical sample proportional to probs
    logits = jnp.log(jnp.maximum(probs, 1e-30))
    return jax.random.categorical(key, logits, axis=-1)


def reference(x_t, pred, t, Qs, Qbs):
    # q_reverse_sample: sample from q(x_{t-1} | x_t) = sum_x q(x_{t-1} | x, x_t) q(x | x_t)
    # left_term: advanced indices (t bcast, x_t) separated by a slice -> adv dims first: [N, n, n, K]
    left_term = Qs[t[:, None, None], :, x_t]
    right_term = Qbs[t - 1]  # [N, K, K] (t=0 wraps to Qbs[-1], masked out below, same as torch)
    posterior_probs = left_term[:, :, :, None, :] * right_term[:, None, None, :, :]  # [N,n,n,K,K]
    posterior_probs = posterior_probs / posterior_probs.sum(-1, keepdims=True)
    x_probs = jax.nn.softmax(pred, axis=-1)  # float32, promotes to float64 on multiply
    ancestral_probs = (posterior_probs * x_probs[..., None]).sum(-2)  # [N,n,n,K]
    x_t_1 = sample_categorical(jax.random.key(1), ancestral_probs)
    nonzero_mask = (t > 0).astype(jnp.int64)[:, None, None]
    x_0 = jnp.argmax(x_probs, axis=-1).astype(jnp.int64)
    return x_t_1.astype(jnp.int64) * nonzero_mask + x_0 * (1 - nonzero_mask)

if __name__ == "__main__":
    import jax
    _d = setup_inputs()
    print(jax.jit(kernel)(*tuple(_d.values())))

</pallas_src>

<mosaic_0001>
#map = affine_map<(d0, d1) -> (0)>
#map1 = affine_map<(d0, d1) -> (0, 0)>
module attributes {stable_mosaic.version = 14 : i64} {
  func.func @_sc_table(%arg0: i32, %arg1: i32, %arg2: memref<16xi32, #tpu.memory_space<hbm>>, %arg3: memref<1000xf32, #tpu.memory_space<hbm>>, %arg4: memref<1000xf32, #tpu.memory_space<hbm>>, %arg5: memref<1000xf32, #tpu.memory_space<hbm>>, %arg6: memref<1000xf32, #tpu.memory_space<hbm>>, %arg7: memref<1001xf32, #tpu.memory_space<hbm>>, %arg8: memref<1001xf32, #tpu.memory_space<hbm>>, %arg9: memref<1001xf32, #tpu.memory_space<hbm>>, %arg10: memref<1001xf32, #tpu.memory_space<hbm>>, %arg11: memref<8x16xf32, #tpu.memory_space<hbm>>, %arg12: memref<16xi32, #tpu.memory_space<vmem>>, %arg13: memref<16xi32, #tpu.memory_space<vmem>>, %arg14: memref<16xf32, #tpu.memory_space<vmem>>, %arg15: memref<16xf32, #tpu.memory_space<vmem>>, %arg16: memref<16xf32, #tpu.memory_space<vmem>>, %arg17: memref<16xf32, #tpu.memory_space<vmem>>, %arg18: memref<16xf32, #tpu.memory_space<vmem>>, %arg19: memref<16xf32, #tpu.memory_space<vmem>>, %arg20: memref<16xf32, #tpu.memory_space<vmem>>, %arg21: memref<16xf32, #tpu.memory_space<vmem>>, %arg22: memref<8x16xf32, #tpu.memory_space<vmem>>, %arg23: memref<!tpu.dma_semaphore, #tpu.memory_space<semaphore_mem>>) attributes {dimension_semantics = [#tpu.dimension_semantics<core_parallel>, #tpu.dimension_semantics<subcore_parallel>], iteration_bounds = array<i64: 2, 16>, scalar_prefetch = 0 : i64, scratch_operands = 12 : i64, tpu.core_type = #tpu.core_type<sc_vector_subcore>, window_params = [{transform_indices = #map}, {transform_indices = #map}, {transform_indices = #map}, {transform_indices = #map}, {transform_indices = #map}, {transform_indices = #map}, {transform_indices = #map}, {transform_indices = #map}, {transform_indices = #map}, {transform_indices = #map1}]} {
    %mul3A = arith.constant 2 : i32
    %mul3A_0 = arith.muli %arg1, %mul3A : i32
    %add3A = arith.addi %mul3A_0, %arg0 : i32
    %eq3A = arith.constant 0 : i32
    %eq3A_1 = arith.cmpi eq, %add3A, %eq3A : i32
    %convert_element_type3A = arith.extui %eq3A_1 : i1 to i32
    %cond3A = arith.constant 0 : i32
    %cond3A_2 = arith.cmpi ne, %convert_element_type3A, %cond3A : i32
    scf.if %cond3A_2 {
      "tpu.region"() ({
        %run_scoped3A = tpu.sem_alloc : memref<!tpu.dma_semaphore, #tpu.memory_space<semaphore_mem>>
        tpu.enqueue_dma source(%arg2 : memref<16xi32, #tpu.memory_space<hbm>>) target(%arg12 : memref<16xi32, #tpu.memory_space<vmem>>) target_semaphore(%run_scoped3A : memref<!tpu.dma_semaphore, #tpu.memory_space<semaphore_mem>>)
        tpu.wait_dma2 semaphore(%run_scoped3A : memref<!tpu.dma_semaphore, #tpu.memory_space<semaphore_mem>>) src(%arg2 : memref<16xi32, #tpu.memory_space<hbm>>) dst(%arg12 : memref<16xi32, #tpu.memory_space<vmem>>)
        tpu.yield
      }) : () -> ()
      %get3A = arith.constant 0 : index
      %get3A_3 = tpu.vector_load %arg12[%get3A] {strides = array<i32>} : memref<16xi32, #tpu.memory_space<vmem>>, vector<16xi32>,
      %get3A_4 = vector.shape_cast %get3A_3 : vector<16xi32> to vector<16xi32>
      %gt3A = arith.constant 0 : i32
      %gt3A_5 = vector.broadcast %gt3A : i32 to vector<16xi32>
      %gt3A_6 = arith.cmpi sgt, %get3A_4, %gt3A_5 : vector<16xi32>
      %get3A_7 = arith.constant 0 : index
      %get3A_8 = tpu.vector_load %arg12[%get3A_7] {strides = array<i32>} : memref<16xi32, #tpu.memory_space<vmem>>, vector<16xi32>,
      %get3A_9 = vector.shape_cast %get3A_8 : vector<16xi32> to vector<16xi32>
      %sub3A = arith.constant 1 : i32
      %sub3A_10 = vector.broadcast %sub3A : i32 to vector<16xi32>
      %sub3A_11 = arith.subi %get3A_9, %sub3A_10 : vector<16xi32>
      %jit3A = arith.constant 1000 : i64
      %convert_element_type3A_12 = arith.trunci %jit3A : i64 to i32
      %broadcast_in_dim3A = vector.broadcast %convert_element_type3A_12 : i32 to vector<16xi32>
      %select_n3A = arith.select %gt3A_6, %sub3A_11, %broadcast_in_dim3A : vector<16xi1>, vector<16xi32>
      %swap3A = arith.constant 0 : index
      %swap3A_13 = tpu.vector_load %arg13[%swap3A] {strides = array<i32>} : memref<16xi32, #tpu.memory_space<vmem>>, vector<16xi32>,
      %swap3A_14 = vector.shape_cast %swap3A_13 : vector<16xi32> to vector<16xi32>
      %swap3A_15 = vector.shape_cast %select_n3A : vector<16xi32> to vector<16xi32>
      tpu.vector_store %arg13[%swap3A], %swap3A_15 {strides = array<i32>} : memref<16xi32, #tpu.memory_space<vmem>>, vector<16xi32>,
      %dma_start3A = arith.constant 0 : i32
      %dma_start3A_16 = tpu.memref_slice %arg3[%dma_start3A] : memref<1000xf32, #tpu.memory_space<hbm>> -> memref<1000xf32, #tpu.memory_space<hbm>>
      tpu.enqueue_indirect_dma source(%dma_start3A_16 : memref<1000xf32, #tpu.memory_space<hbm>>) target(%arg14 : memref<16xf32, #tpu.memory_space<vmem>>) offsets(%arg12 : memref<16xi32, #tpu.memory_space<vmem>>) semaphore(%arg23 : memref<!tpu.dma_semaphore, #tpu.memory_space<semaphore_mem>>)
      %dma_wait3A = arith.constant 0 : i32
      %dma_wait3A_17 = tpu.memref_slice %arg3[%dma_wait3A] : memref<1000xf32, #tpu.memory_space<hbm>> -> memref<1000xf32, #tpu.memory_space<hbm>>
      tpu.wait_indirect_dma semaphore(%arg23 : memref<!tpu.dma_semaphore, #tpu.memory_space<semaphore_mem>>) src(%dma_wait3A_17 : memref<1000xf32, #tpu.memory_space<hbm>>) dst(%arg14 : memref<16xf32, #tpu.memory_space<vmem>>)
      %dma_start3A_18 = arith.constant 0 : i32
      %dma_start3A_19 = tpu.memref_slice %arg4[%dma_start3A_18] : memref<1000xf32, #tpu.memory_space<hbm>> -> memref<1000xf32, #tpu.memory_space<hbm>>
      tpu.enqueue_indirect_dma source(%dma_start3A_19 : memref<1000xf32, #tpu.memory_space<hbm>>) target(%arg15 : memref<16xf32, #tpu.memory_space<vmem>>) offsets(%arg12 : memref<16xi32, #tpu.memory_space<vmem>>) semaphore(%arg23 : memref<!tpu.dma_semaphore, #tpu.memory_space<semaphore_mem>>)
      %dma_wait3A_20 = arith.constant 0 : i32
      %dma_wait3A_21 = tpu.memref_slice %arg4[%dma_wait3A_20] : memref<1000xf32, #tpu.memory_space<hbm>> -> memref<1000xf32, #tpu.memory_space<hbm>>
      tpu.wait_indirect_dma semaphore(%arg23 : memref<!tpu.dma_semaphore, #tpu.memory_space<semaphore_mem>>) src(%dma_wait3A_21 : memref<1000xf32, #tpu.memory_space<hbm>>) dst(%arg15 : memref<16xf32, #tpu.memory_space<vmem>>)
      %dma_start3A_22 = arith.constant 0 : i32
      %dma_start3A_23 = tpu.memref_slice %arg5[%dma_start3A_22] : memref<1000xf32, #tpu.memory_space<hbm>> -> memref<1000xf32, #tpu.memory_space<hbm>>
      tpu.enqueue_indirect_dma source(%dma_start3A_23 : memref<1000xf32, #tpu.memory_space<hbm>>) target(%arg16 : memref<16xf32, #tpu.memory_space<vmem>>) offsets(%arg12 : memref<16xi32, #tpu.memory_space<vmem>>) semaphore(%arg23 : memref<!tpu.dma_semaphore, #tpu.memory_space<semaphore_mem>>)
      %dma_wait3A_24 = arith.constant 0 : i32
      %dma_wait3A_25 = tpu.memref_slice %arg5[%dma_wait3A_24] : memref<1000xf32, #tpu.memory_space<hbm>> -> memref<1000xf32, #tpu.memory_space<hbm>>
      tpu.wait_indirect_dma semaphore(%arg23 : memref<!tpu.dma_semaphore, #tpu.memory_space<semaphore_mem>>) src(%dma_wait3A_25 : memref<1000xf32, #tpu.memory_space<hbm>>) dst(%arg16 : memref<16xf32, #tpu.memory_space<vmem>>)
      %dma_start3A_26 = arith.constant 0 : i32
      %dma_start3A_27 = tpu.memref_slice %arg6[%dma_start3A_26] : memref<1000xf32, #tpu.memory_space<hbm>> -> memref<1000xf32, #tpu.memory_space<hbm>>
      tpu.enqueue_indirect_dma source(%dma_start3A_27 : memref<1000xf32, #tpu.memory_space<hbm>>) target(%arg17 : memref<16xf32, #tpu.memory_space<vmem>>) offsets(%arg12 : memref<16xi32, #tpu.memory_space<vmem>>) semaphore(%arg23 : memref<!tpu.dma_semaphore, #tpu.memory_space<semaphore_mem>>)
      %dma_wait3A_28 = arith.constant 0 : i32
      %dma_wait3A_29 = tpu.memref_slice %arg6[%dma_wait3A_28] : memref<1000xf32, #tpu.memory_space<hbm>> -> memref<1000xf32, #tpu.memory_space<hbm>>
      tpu.wait_indirect_dma semaphore(%arg23 : memref<!tpu.dma_semaphore, #tpu.memory_space<semaphore_mem>>) src(%dma_wait3A_29 : memref<1000xf32, #tpu.memory_space<hbm>>) dst(%arg17 : memref<16xf32, #tpu.memory_space<vmem>>)
      %dma_start3A_30 = arith.constant 0 : i32
      %dma_start3A_31 = tpu.memref_slice %arg7[%dma_start3A_30] : memref<1001xf32, #tpu.memory_space<hbm>> -> memref<1001xf32, #tpu.memory_space<hbm>>
      tpu.enqueue_indirect_dma source(%dma_start3A_31 : memref<1001xf32, #tpu.memory_space<hbm>>) target(%arg18 : memref<16xf32, #tpu.memory_space<vmem>>) offsets(%arg13 : memref<16xi32, #tpu.memory_space<vmem>>) semaphore(%arg23 : memref<!tpu.dma_semaphore, #tpu.memory_space<semaphore_mem>>)
      %dma_wait3A_32 = arith.constant 0 : i32
      %dma_wait3A_33 = tpu.memref_slice %arg7[%dma_wait3A_32] : memref<1001xf32, #tpu.memory_space<hbm>> -> memref<1001xf32, #tpu.memory_space<hbm>>
      tpu.wait_indirect_dma semaphore(%arg23 : memref<!tpu.dma_semaphore, #tpu.memory_space<semaphore_mem>>) src(%dma_wait3A_33 : memref<1001xf32, #tpu.memory_space<hbm>>) dst(%arg18 : memref<16xf32, #tpu.memory_space<vmem>>)
      %dma_start3A_34 = arith.constant 0 : i32
      %dma_start3A_35 = tpu.memref_slice %arg8[%dma_start3A_34] : memref<1001xf32, #tpu.memory_space<hbm>> -> memref<1001xf32, #tpu.memory_space<hbm>>
      tpu.enqueue_indirect_dma source(%dma_start3A_35 : memref<1001xf32, #tpu.memory_space<hbm>>) target(%arg19 : memref<16xf32, #tpu.memory_space<vmem>>) offsets(%arg13 : memref<16xi32, #tpu.memory_space<vmem>>) semaphore(%arg23 : memref<!tpu.dma_semaphore, #tpu.memory_space<semaphore_mem>>)
      %dma_wait3A_36 = arith.constant 0 : i32
      %dma_wait3A_37 = tpu.memref_slice %arg8[%dma_wait3A_36] : memref<1001xf32, #tpu.memory_space<hbm>> -> memref<1001xf32, #tpu.memory_space<hbm>>
      tpu.wait_indirect_dma semaphore(%arg23 : memref<!tpu.dma_semaphore, #tpu.memory_space<semaphore_mem>>) src(%dma_wait3A_37 : memref<1001xf32, #tpu.memory_space<hbm>>) dst(%arg19 : memref<16xf32, #tpu.memory_space<vmem>>)
      %dma_start3A_38 = arith.constant 0 : i32
      %dma_start3A_39 = tpu.memref_slice %arg9[%dma_start3A_38] : memref<1001xf32, #tpu.memory_space<hbm>> -> memref<1001xf32, #tpu.memory_space<hbm>>
      tpu.enqueue_indirect_dma source(%dma_start3A_39 : memref<1001xf32, #tpu.memory_space<hbm>>) target(%arg20 : memref<16xf32, #tpu.memory_space<vmem>>) offsets(%arg13 : memref<16xi32, #tpu.memory_space<vmem>>) semaphore(%arg23 : memref<!tpu.dma_semaphore, #tpu.memory_space<semaphore_mem>>)
      %dma_wait3A_40 = arith.constant 0 : i32
      %dma_wait3A_41 = tpu.memref_slice %arg9[%dma_wait3A_40] : memref<1001xf32, #tpu.memory_space<hbm>> -> memref<1001xf32, #tpu.memory_space<hbm>>
      tpu.wait_indirect_dma semaphore(%arg23 : memref<!tpu.dma_semaphore, #tpu.memory_space<semaphore_mem>>) src(%dma_wait3A_41 : memref<1001xf32, #tpu.memory_space<hbm>>) dst(%arg20 : memref<16xf32, #tpu.memory_space<vmem>>)
      %dma_start3A_42 = arith.constant 0 : i32
      %dma_start3A_43 = tpu.memref_slice %arg10[%dma_start3A_42] : memref<1001xf32, #tpu.memory_space<hbm>> -> memref<1001xf32, #tpu.memory_space<hbm>>
      tpu.enqueue_indirect_dma source(%dma_start3A_43 : memref<1001xf32, #tpu.memory_space<hbm>>) target(%arg21 : memref<16xf32, #tpu.memory_space<vmem>>) offsets(%arg13 : memref<16xi32, #tpu.memory_space<vmem>>) semaphore(%arg23 : memref<!tpu.dma_semaphore, #tpu.memory_space<semaphore_mem>>)
      %dma_wait3A_44 = arith.constant 0 : i32
      %dma_wait3A_45 = tpu.memref_slice %arg10[%dma_wait3A_44] : memref<1001xf32, #tpu.memory_space<hbm>> -> memref<1001xf32, #tpu.memory_space<hbm>>
      tpu.wait_indirect_dma semaphore(%arg23 : memref<!tpu.dma_semaphore, #tpu.memory_space<semaphore_mem>>) src(%dma_wait3A_45 : memref<1001xf32, #tpu.memory_space<hbm>>) dst(%arg21 : memref<16xf32, #tpu.memory_space<vmem>>)
      %get3A_46 = arith.constant 0 : index
      %get3A_47 = tpu.vector_load %arg14[%get3A_46] {strides = array<i32>} : memref<16xf32, #tpu.memory_space<vmem>>, vector<16xf32>,
      %get3A_48 = vector.shape_cast %get3A_47 : vector<16xf32> to vector<16xf32>
      %get3A_49 = arith.constant 0 : index
      %get3A_50 = tpu.vector_load %arg15[%get3A_49] {strides = array<i32>} : memref<16xf32, #tpu.memory_space<vmem>>, vector<16xf32>,
      %get3A_51 = vector.shape_cast %get3A_50 : vector<16xf32> to vector<16xf32>
      %get3A_52 = arith.constant 0 : index
      %get3A_53 = tpu.vector_load %arg16[%get3A_52] {strides = array<i32>} : memref<16xf32, #tpu.memory_space<vmem>>, vector<16xf32>,
      %get3A_54 = vector.shape_cast %get3A_53 : vector<16xf32> to vector<16xf32>
      %get3A_55 = arith.constant 0 : index
      %get3A_56 = tpu.vector_load %arg17[%get3A_55] {strides = array<i32>} : memref<16xf32, #tpu.memory_space<vmem>>, vector<16xf32>,
      %get3A_57 = vector.shape_cast %get3A_56 : vector<16xf32> to vector<16xf32>
      %get3A_58 = arith.constant 0 : index
      %get3A_59 = tpu.vector_load %arg18[%get3A_58] {strides = array<i32>} : memref<16xf32, #tpu.memory_space<vmem>>, vector<16xf32>,
      %get3A_60 = vector.shape_cast %get3A_59 : vector<16xf32> to vector<16xf32>
      %get3A_61 = arith.constant 0 : index
      %get3A_62 = tpu.vector_load %arg19[%get3A_61] {strides = array<i32>} : memref<16xf32, #tpu.memory_space<vmem>>, vector<16xf32>,
      %get3A_63 = vector.shape_cast %get3A_62 : vector<16xf32> to vector<16xf32>
      %get3A_64 = arith.constant 0 : index
      %get3A_65 = tpu.vector_load %arg20[%get3A_64] {strides = array<i32>} : memref<16xf32, #tpu.memory_space<vmem>>, vector<16xf32>,
      %get3A_66 = vector.shape_cast %get3A_65 : vector<16xf32> to vector<16xf32>
      %get3A_67 = arith.constant 0 : index
      %get3A_68 = tpu.vector_load %arg21[%get3A_67] {strides = array<i32>} : memref<16xf32, #tpu.memory_space<vmem>>, vector<16xf32>,
      %get3A_69 = vector.shape_cast %get3A_68 : vector<16xf32> to vector<16xf32>
      %mul3A_70 = arith.mulf %get3A_48, %get3A_60 : vector<16xf32>
      %mul3A_71 = arith.mulf %get3A_54, %get3A_63 : vector<16xf32>
      %add3A_72 = arith.addf %mul3A_70, %mul3A_71 : vector<16xf32>
      %mul3A_73 = arith.mulf %get3A_48, %get3A_66 : vector<16xf32>
      %mul3A_74 = arith.mulf %get3A_54, %get3A_69 : vector<16xf32>
      %add3A_75 = arith.addf %mul3A_73, %mul3A_74 : vector<16xf32>
      %mul3A_76 = arith.mulf %get3A_51, %get3A_60 : vector<16xf32>
      %mul3A_77 = arith.mulf %get3A_57, %get3A_63 : vector<16xf32>
      %add3A_78 = arith.addf %mul3A_76, %mul3A_77 : vector<16xf32>
      %mul3A_79 = arith.mulf %get3A_51, %get3A_66 : vector<16xf32>
      %mul3A_80 = arith.mulf %get3A_57, %get3A_69 : vector<16xf32>
      %add3A_81 = arith.addf %mul3A_79, %mul3A_80 : vector<16xf32>
      %mul3A_82 = arith.mulf %get3A_48, %get3A_60 : vector<16xf32>
      %div3A = arith.divf %mul3A_82, %add3A_72 : vector<16xf32>
      %swap3A_83 = arith.constant 0 : i64
      %swap3A_84 = arith.index_cast %swap3A_83 : i64 to index
      %swap3A_85 = arith.constant 0 : index
      %swap3A_86 = tpu.vector_load %arg22[%swap3A_84, %swap3A_85] {strides = array<i32>} : memref<8x16xf32, #tpu.memory_space<vmem>>, vector<1x16xf32>,
      %swap3A_87 = vector.shape_cast %swap3A_86 : vector<1x16xf32> to vector<16xf32>
      %swap3A_88 = vector.shape_cast %div3A : vector<16xf32> to vector<1x16xf32>
      tpu.vector_store %arg22[%swap3A_84, %swap3A_85], %swap3A_88 {strides = array<i32>} : memref<8x16xf32, #tpu.memory_space<vmem>>, vector<1x16xf32>,
      %mul3A_89 = arith.mulf %get3A_54, %get3A_63 : vector<16xf32>
      %div3A_90 = arith.divf %mul3A_89, %add3A_72 : vector<16xf32>
      %swap3A_91 = arith.constant 1 : i64
      %swap3A_92 = arith.index_cast %swap3A_91 : i64 to index
      %swap3A_93 = arith.constant 0 : index
      %swap3A_94 = tpu.vector_load %arg22[%swap3A_92, %swap3A_93] {strides = array<i32>} : memref<8x16xf32, #tpu.memory_space<vmem>>, vector<1x16xf32>,
      %swap3A_95 = vector.shape_cast %swap3A_94 : vector<1x16xf32> to vector<16xf32>
      %swap3A_96 = vector.shape_cast %div3A_90 : vector<16xf32> to vector<1x16xf32>
      tpu.vector_store %arg22[%swap3A_92, %swap3A_93], %swap3A_96 {strides = array<i32>} : memref<8x16xf32, #tpu.memory_space<vmem>>, vector<1x16xf32>,
      %mul3A_97 = arith.mulf %get3A_48, %get3A_66 : vector<16xf32>
      %div3A_98 = arith.divf %mul3A_97, %add3A_75 : vector<16xf32>
      %swap3A_99 = arith.constant 2 : i64
      %swap3A_100 = arith.index_cast %swap3A_99 : i64 to index
      %swap3A_101 = arith.constant 0 : index
      %swap3A_102 = tpu.vector_load %arg22[%swap3A_100, %swap3A_101] {strides = array<i32>} : memref<8x16xf32, #tpu.memory_space<vmem>>, vector<1x16xf32>,
      %swap3A_103 = vector.shape_cast %swap3A_102 : vector<1x16xf32> to vector<16xf32>
      %swap3A_104 = vector.shape_cast %div3A_98 : vector<16xf32> to vector<1x16xf32>
      tpu.vector_store %arg22[%swap3A_100, %swap3A_101], %swap3A_104 {strides = array<i32>} : memref<8x16xf32, #tpu.memory_space<vmem>>, vector<1x16xf32>,
      %mul3A_105 = arith.mulf %get3A_54, %get3A_69 : vector<16xf32>
      %div3A_106 = arith.divf %mul3A_105, %add3A_75 : vector<16xf32>
      %swap3A_107 = arith.constant 3 : i64
      %swap3A_108 = arith.index_cast %swap3A_107 : i64 to index
      %swap3A_109 = arith.constant 0 : index
      %swap3A_110 = tpu.vector_load %arg22[%swap3A_108, %swap3A_109] {strides = array<i32>} : memref<8x16xf32, #tpu.memory_space<vmem>>, vector<1x16xf32>,
      %swap3A_111 = vector.shape_cast %swap3A_110 : vector<1x16xf32> to vector<16xf32>
      %swap3A_112 = vector.shape_cast %div3A_106 : vector<16xf32> to vector<1x16xf32>
      tpu.vector_store %arg22[%swap3A_108, %swap3A_109], %swap3A_112 {strides = array<i32>} : memref<8x16xf32, #tpu.memory_space<vmem>>, vector<1x16xf32>,
      %mul3A_113 = arith.mulf %get3A_51, %get3A_60 : vector<16xf32>
      %div3A_114 = arith.divf %mul3A_113, %add3A_78 : vector<16xf32>
      %swap3A_115 = arith.constant 4 : i64
      %swap3A_116 = arith.index_cast %swap3A_115 : i64 to index
      %swap3A_117 = arith.constant 0 : index
      %swap3A_118 = tpu.vector_load %arg22[%swap3A_116, %swap3A_117] {strides = array<i32>} : memref<8x16xf32, #tpu.memory_space<vmem>>, vector<1x16xf32>,
      %swap3A_119 = vector.shape_cast %swap3A_118 : vector<1x16xf32> to vector<16xf32>
      %swap3A_120 = vector.shape_cast %div3A_114 : vector<16xf32> to vector<1x16xf32>
      tpu.vector_store %arg22[%swap3A_116, %swap3A_117], %swap3A_120 {strides = array<i32>} : memref<8x16xf32, #tpu.memory_space<vmem>>, vector<1x16xf32>,
      %mul3A_121 = arith.mulf %get3A_57, %get3A_63 : vector<16xf32>
      %div3A_122 = arith.divf %mul3A_121, %add3A_78 : vector<16xf32>
      %swap3A_123 = arith.constant 5 : i64
      %swap3A_124 = arith.index_cast %swap3A_123 : i64 to index
      %swap3A_125 = arith.constant 0 : index
      %swap3A_126 = tpu.vector_load %arg22[%swap3A_124, %swap3A_125] {strides = array<i32>} : memref<8x16xf32, #tpu.memory_space<vmem>>, vector<1x16xf32>,
      %swap3A_127 = vector.shape_cast %swap3A_126 : vector<1x16xf32> to vector<16xf32>
      %swap3A_128 = vector.shape_cast %div3A_122 : vector<16xf32> to vector<1x16xf32>
      tpu.vector_store %arg22[%swap3A_124, %swap3A_125], %swap3A_128 {strides = array<i32>} : memref<8x16xf32, #tpu.memory_space<vmem>>, vector<1x16xf32>,
      %mul3A_129 = arith.mulf %get3A_51, %get3A_66 : vector<16xf32>
      %div3A_130 = arith.divf %mul3A_129, %add3A_81 : vector<16xf32>
      %swap3A_131 = arith.constant 6 : i64
      %swap3A_132 = arith.index_cast %swap3A_131 : i64 to index
      %swap3A_133 = arith.constant 0 : index
      %swap3A_134 = tpu.vector_load %arg22[%swap3A_132, %swap3A_133] {strides = array<i32>} : memref<8x16xf32, #tpu.memory_space<vmem>>, vector<1x16xf32>,
      %swap3A_135 = vector.shape_cast %swap3A_134 : vector<1x16xf32> to vector<16xf32>
      %swap3A_136 = vector.shape_cast %div3A_130 : vector<16xf32> to vector<1x16xf32>
      tpu.vector_store %arg22[%swap3A_132, %swap3A_133], %swap3A_136 {strides = array<i32>} : memref<8x16xf32, #tpu.memory_space<vmem>>, vector<1x16xf32>,
      %mul3A_137 = arith.mulf %get3A_57, %get3A_69 : vector<16xf32>
      %div3A_138 = arith.divf %mul3A_137, %add3A_81 : vector<16xf32>
      %swap3A_139 = arith.constant 7 : i64
      %swap3A_140 = arith.index_cast %swap3A_139 : i64 to index
      %swap3A_141 = arith.constant 0 : index
      %swap3A_142 = tpu.vector_load %arg22[%swap3A_140, %swap3A_141] {strides = array<i32>} : memref<8x16xf32, #tpu.memory_space<vmem>>, vector<1x16xf32>,
      %swap3A_143 = vector.shape_cast %swap3A_142 : vector<1x16xf32> to vector<16xf32>
      %swap3A_144 = vector.shape_cast %div3A_138 : vector<16xf32> to vector<1x16xf32>
      tpu.vector_store %arg22[%swap3A_140, %swap3A_141], %swap3A_144 {strides = array<i32>} : memref<8x16xf32, #tpu.memory_space<vmem>>, vector<1x16xf32>,
      "tpu.region"() ({
        %run_scoped3A = tpu.sem_alloc : memref<!tpu.dma_semaphore, #tpu.memory_space<semaphore_mem>>
        tpu.enqueue_dma source(%arg22 : memref<8x16xf32, #tpu.memory_space<vmem>>) target(%arg11 : memref<8x16xf32, #tpu.memory_space<hbm>>) target_semaphore(%run_scoped3A : memref<!tpu.dma_semaphore, #tpu.memory_space<semaphore_mem>>)
        tpu.wait_dma2 semaphore(%run_scoped3A : memref<!tpu.dma_semaphore, #tpu.memory_space<semaphore_mem>>) src(%arg22 : memref<8x16xf32, #tpu.memory_space<vmem>>) dst(%arg11 : memref<8x16xf32, #tpu.memory_space<hbm>>)
        tpu.yield
      }) : () -> ()
    } else {
    }
    return
  }
}

module attributes {stable_mosaic.version = 14 : i64} {
  func.func @_kern(%arg0: i32, %arg1: i32, %arg2: memref<16xi32, #tpu.memory_space<smem>>, %arg3: memref<8x16xf32, #tpu.memory_space<smem>>, %arg4: memref<1x512x512xi32, #tpu.memory_space<vmem>>, %arg5: memref<1x512x2x512xf32, #tpu.memory_space<vmem>>, %arg6: memref<1x512x512xi32, #tpu.memory_space<vmem>>) attributes {dimension_semantics = [#tpu.dimension_semantics<arbitrary>, #tpu.dimension_semantics<arbitrary>], iteration_bounds = array<i64: 16, 1>, scalar_prefetch = 0 : i64, scratch_operands = 0 : i64, tpu.core_type = #tpu.core_type<tc>, window_params = [{transform_indices = @transform_0, window_bounds = array<i64: 16>}, {transform_indices = @transform_1, window_bounds = array<i64: 8, 16>}, {transform_indices = @transform_2, window_bounds = array<i64: 1, 512, 512>}, {transform_indices = @transform_3, window_bounds = array<i64: 1, 512, 2, 512>}, {transform_indices = @transform_4, window_bounds = array<i64: 1, 512, 512>}]} {
    %get3A = arith.index_cast %arg0 : i32 to index
    %get3A_0 = memref.load %arg2[%get3A] : memref<16xi32, #tpu.memory_space<smem>>
    %get3A_1 = arith.constant 0 : index
    %get3A_2 = arith.index_cast %arg0 : i32 to index
    %get3A_3 = memref.load %arg3[%get3A_1, %get3A_2] : memref<8x16xf32, #tpu.memory_space<smem>>
    %get3A_4 = arith.constant 1 : index
    %get3A_5 = arith.index_cast %arg0 : i32 to index
    %get3A_6 = memref.load %arg3[%get3A_4, %get3A_5] : memref<8x16xf32, #tpu.memory_space<smem>>
    %get3A_7 = arith.constant 2 : index
    %get3A_8 = arith.index_cast %arg0 : i32 to index
    %get3A_9 = memref.load %arg3[%get3A_7, %get3A_8] : memref<8x16xf32, #tpu.memory_space<smem>>
    %get3A_10 = arith.constant 3 : index
    %get3A_11 = arith.index_cast %arg0 : i32 to index
    %get3A_12 = memref.load %arg3[%get3A_10, %get3A_11] : memref<8x16xf32, #tpu.memory_space<smem>>
    %get3A_13 = arith.constant 4 : index
    %get3A_14 = arith.index_cast %arg0 : i32 to index
    %get3A_15 = memref.load %arg3[%get3A_13, %get3A_14] : memref<8x16xf32, #tpu.memory_space<smem>>
    %get3A_16 = arith.constant 5 : index
    %get3A_17 = arith.index_cast %arg0 : i32 to index
    %get3A_18 = memref.load %arg3[%get3A_16, %get3A_17] : memref<8x16xf32, #tpu.memory_space<smem>>
    %get3A_19 = arith.constant 6 : index
    %get3A_20 = arith.index_cast %arg0 : i32 to index
    %get3A_21 = memref.load %arg3[%get3A_19, %get3A_20] : memref<8x16xf32, #tpu.memory_space<smem>>
    %get3A_22 = arith.constant 7 : index
    %get3A_23 = arith.index_cast %arg0 : i32 to index
    %get3A_24 = memref.load %arg3[%get3A_22, %get3A_23] : memref<8x16xf32, #tpu.memory_space<smem>>
    %get3A_25 = arith.constant 0 : index
    %get3A_26 = arith.constant 0 : index
    %get3A_27 = arith.constant 0 : index
    %get3A_28 = vector.load %arg4[%get3A_25, %get3A_26, %get3A_27] : memref<1x512x512xi32, #tpu.memory_space<vmem>>, vector<1x512x512xi32>
    %get3A_29 = vector.shape_cast %get3A_28 : vector<1x512x512xi32> to vector<512x512xi32>
    %get3A_30 = arith.constant 0 : index
    %get3A_31 = arith.constant 0 : index
    %get3A_32 = arith.constant 0 : index
    %get3A_33 = arith.constant 0 : index
    %get3A_34 = vector.load %arg5[%get3A_30, %get3A_31, %get3A_32, %get3A_33] : memref<1x512x2x512xf32, #tpu.memory_space<vmem>>, vector<1x512x1x512xf32>
    %get3A_35 = vector.shape_cast %get3A_34 : vector<1x512x1x512xf32> to vector<512x512xf32>
    %get3A_36 = arith.constant 0 : index
    %get3A_37 = arith.constant 0 : index
    %get3A_38 = arith.constant 1 : index
    %get3A_39 = arith.constant 0 : index
    %get3A_40 = vector.load %arg5[%get3A_36, %get3A_37, %get3A_38, %get3A_39] : memref<1x512x2x512xf32, #tpu.memory_space<vmem>>, vector<1x512x1x512xf32>
    %get3A_41 = vector.shape_cast %get3A_40 : vector<1x512x1x512xf32> to vector<512x512xf32>
    %sub3A = arith.subf %get3A_41, %get3A_35 : vector<512x512xf32>
    %neg3A = arith.constant 0.000000e+00 : f32
    %neg3A_42 = vector.broadcast %neg3A : f32 to vector<512x512xf32>
    %neg3A_43 = arith.subf %neg3A_42, %sub3A : vector<512x512xf32>
    %exp3A = math.exp %neg3A_43 : vector<512x512xf32>
    %add3A = arith.constant 1.000000e+00 : f32
    %add3A_44 = vector.broadcast %add3A : f32 to vector<512x512xf32>
    %add3A_45 = arith.addf %add3A_44, %exp3A : vector<512x512xf32>
    %div3A = arith.constant 1.000000e+00 : f32
    %div3A_46 = vector.broadcast %div3A : f32 to vector<512x512xf32>
    %div3A_47 = arith.divf %div3A_46, %add3A_45 : vector<512x512xf32>
    %mul3A = arith.mulf %exp3A, %div3A_47 : vector<512x512xf32>
    %eq3A = arith.constant 0 : i32
    %eq3A_48 = vector.broadcast %eq3A : i32 to vector<512x512xi32>
    %eq3A_49 = arith.cmpi eq, %get3A_29, %eq3A_48 : vector<512x512xi32>
    %mul3A_50 = vector.broadcast %get3A_3 : f32 to vector<512x512xf32>
    %mul3A_51 = arith.mulf %mul3A, %mul3A_50 : vector<512x512xf32>
    %mul3A_52 = vector.broadcast %get3A_9 : f32 to vector<512x512xf32>
    %mul3A_53 = arith.mulf %div3A_47, %mul3A_52 : vector<512x512xf32>
    %add3A_54 = arith.addf %mul3A_51, %mul3A_53 : vector<512x512xf32>
    %mul3A_55 = vector.broadcast %get3A_15 : f32 to vector<512x512xf32>
    %mul3A_56 = arith.mulf %mul3A, %mul3A_55 : vector<512x512xf32>
    %mul3A_57 = vector.broadcast %get3A_21 : f32 to vector<512x512xf32>
    %mul3A_58 = arith.mulf %div3A_47, %mul3A_57 : vector<512x512xf32>
    %add3A_59 = arith.addf %mul3A_56, %mul3A_58 : vector<512x512xf32>
    %select_n3A = arith.select %eq3A_49, %add3A_54, %add3A_59 : vector<512x512xi1>, vector<512x512xf32>
    %mul3A_60 = vector.broadcast %get3A_6 : f32 to vector<512x512xf32>
    %mul3A_61 = arith.mulf %mul3A, %mul3A_60 : vector<512x512xf32>
    %mul3A_62 = vector.broadcast %get3A_12 : f32 to vector<512x512xf32>
    %mul3A_63 = arith.mulf %div3A_47, %mul3A_62 : vector<512x512xf32>
    %add3A_64 = arith.addf %mul3A_61, %mul3A_63 : vector<512x512xf32>
    %mul3A_65 = vector.broadcast %get3A_18 : f32 to vector<512x512xf32>
    %mul3A_66 = arith.mulf %mul3A, %mul3A_65 : vector<512x512xf32>
    %mul3A_67 = vector.broadcast %get3A_24 : f32 to vector<512x512xf32>
    %mul3A_68 = arith.mulf %div3A_47, %mul3A_67 : vector<512x512xf32>
    %add3A_69 = arith.addf %mul3A_66, %mul3A_68 : vector<512x512xf32>
    %select_n3A_70 = arith.select %eq3A_49, %add3A_64, %add3A_69 : vector<512x512xi1>, vector<512x512xf32>
    %mul3A_71 = arith.constant 512 : i32
    %mul3A_72 = arith.muli %arg0, %mul3A_71 : i32
    %mul3A_73 = arith.constant 512 : i32
    %mul3A_74 = arith.muli %arg1, %mul3A_73 : i32
    %add3A_75 = arith.addi %mul3A_72, %mul3A_74 : i32
    %mul3A_76 = arith.constant 512 : i32
    %mul3A_77 = arith.muli %add3A_75, %mul3A_76 : i32
    %iota3A = tpu.iota {dimensions = array<i32: 0>} : vector<512x512xi32>
    %mul3A_78 = arith.constant 512 : i32
    %mul3A_79 = vector.broadcast %mul3A_78 : i32 to vector<512x512xi32>
    %mul3A_80 = arith.muli %iota3A, %mul3A_79 : vector<512x512xi32>
    %add3A_81 = vector.broadcast %mul3A_77 : i32 to vector<512x512xi32>
    %add3A_82 = arith.addi %add3A_81, %mul3A_80 : vector<512x512xi32>
    %iota3A_83 = tpu.iota {dimensions = array<i32: 1>} : vector<512x512xi32>
    %add3A_84 = arith.addi %add3A_82, %iota3A_83 : vector<512x512xi32>
    %mul3A_85 = arith.constant 2 : i32
    %mul3A_86 = vector.broadcast %mul3A_85 : i32 to vector<512x512xi32>
    %mul3A_87 = arith.muli %add3A_84, %mul3A_86 : vector<512x512xi32>
    %broadcast_in_dim3A = arith.constant 0 : i32
    %broadcast_in_dim3A_88 = vector.broadcast %broadcast_in_dim3A : i32 to vector<512x512xi32>
    %add3A_89 = arith.constant 1 : i32
    %add3A_90 = vector.broadcast %add3A_89 : i32 to vector<512x512xi32>
    %add3A_91 = arith.addi %mul3A_87, %add3A_90 : vector<512x512xi32>
    %add3A_92 = arith.addi %broadcast_in_dim3A_88, %add3A_91 : vector<512x512xi32>
    %shift_left3A = arith.constant 13 : i32
    %shift_left3A_93 = vector.broadcast %shift_left3A : i32 to vector<512x512xi32>
    %shift_left3A_94 = arith.shli %add3A_91, %shift_left3A_93 : vector<512x512xi32>
    %shift_right_logical3A = arith.constant 19 : i32
    %shift_right_logical3A_95 = vector.broadcast %shift_right_logical3A : i32 to vector<512x512xi32>
    %shift_right_logical3A_96 = arith.shrui %add3A_91, %shift_right_logical3A_95 : vector<512x512xi32>
    %or3A = arith.ori %shift_left3A_94, %shift_right_logical3A_96 : vector<512x512xi32>
    %xor3A = arith.xori %or3A, %add3A_92 : vector<512x512xi32>
    %add3A_97 = arith.addi %add3A_92, %xor3A : vector<512x512xi32>
    %shift_left3A_98 = arith.constant 15 : i32
    %shift_left3A_99 = vector.broadcast %shift_left3A_98 : i32 to vector<512x512xi32>
    %shift_left3A_100 = arith.shli %xor3A, %shift_left3A_99 : vector<512x512xi32>
    %shift_right_logical3A_101 = arith.constant 17 : i32
    %shift_right_logical3A_102 = vector.broadcast %shift_right_logical3A_101 : i32 to vector<512x512xi32>
    %shift_right_logical3A_103 = arith.shrui %xor3A, %shift_right_logical3A_102 : vector<512x512xi32>
    %or3A_104 = arith.ori %shift_left3A_100, %shift_right_logical3A_103 : vector<512x512xi32>
    %xor3A_105 = arith.xori %or3A_104, %add3A_97 : vector<512x512xi32>
    %add3A_106 = arith.addi %add3A_97, %xor3A_105 : vector<512x512xi32>
    %shift_left3A_107 = arith.constant 26 : i32
    %shift_left3A_108 = vector.broadcast %shift_left3A_107 : i32 to vector<512x512xi32>
    %shift_left3A_109 = arith.shli %xor3A_105, %shift_left3A_108 : vector<512x512xi32>
    %shift_right_logical3A_110 = arith.constant 6 : i32
    %shift_right_logical3A_111 = vector.broadcast %shift_right_logical3A_110 : i32 to vector<512x512xi32>
    %shift_right_logical3A_112 = arith.shrui %xor3A_105, %shift_right_logical3A_111 : vector<512x512xi32>
    %or3A_113 = arith.ori %shift_left3A_109, %shift_right_logical3A_112 : vector<512x512xi32>
    %xor3A_114 = arith.xori %or3A_113, %add3A_106 : vector<512x512xi32>
    %add3A_115 = arith.addi %add3A_106, %xor3A_114 : vector<512x512xi32>
    %shift_left3A_116 = arith.constant 6 : i32
    %shift_left3A_117 = vector.broadcast %shift_left3A_116 : i32 to vector<512x512xi32>
    %shift_left3A_118 = arith.shli %xor3A_114, %shift_left3A_117 : vector<512x512xi32>
    %shift_right_logical3A_119 = arith.constant 26 : i32
    %shift_right_logical3A_120 = vector.broadcast %shift_right_logical3A_119 : i32 to vector<512x512xi32>
    %shift_right_logical3A_121 = arith.shrui %xor3A_114, %shift_right_logical3A_120 : vector<512x512xi32>
    %or3A_122 = arith.ori %shift_left3A_118, %shift_right_logical3A_121 : vector<512x512xi32>
    %xor3A_123 = arith.xori %or3A_122, %add3A_115 : vector<512x512xi32>
    %add3A_124 = arith.constant 1 : i32
    %add3A_125 = vector.broadcast %add3A_124 : i32 to vector<512x512xi32>
    %add3A_126 = arith.addi %add3A_115, %add3A_125 : vector<512x512xi32>
    %add3A_127 = arith.constant 466688987 : i32
    %add3A_128 = vector.broadcast %add3A_127 : i32 to vector<512x512xi32>
    %add3A_129 = arith.addi %xor3A_123, %add3A_128 : vector<512x512xi32>
    %add3A_130 = arith.constant 1 : i32
    %add3A_131 = vector.broadcast %add3A_130 : i32 to vector<512x512xi32>
    %add3A_132 = arith.addi %add3A_129, %add3A_131 : vector<512x512xi32>
    %add3A_133 = arith.addi %add3A_126, %add3A_132 : vector<512x512xi32>
    %shift_left3A_134 = arith.constant 17 : i32
    %shift_left3A_135 = vector.broadcast %shift_left3A_134 : i32 to vector<512x512xi32>
    %shift_left3A_136 = arith.shli %add3A_132, %shift_left3A_135 : vector<512x512xi32>
    %shift_right_logical3A_137 = arith.constant 15 : i32
    %shift_right_logical3A_138 = vector.broadcast %shift_right_logical3A_137 : i32 to vector<512x512xi32>
    %shift_right_logical3A_139 = arith.shrui %add3A_132, %shift_right_logical3A_138 : vector<512x512xi32>
    %or3A_140 = arith.ori %shift_left3A_136, %shift_right_logical3A_139 : vector<512x512xi32>
    %xor3A_141 = arith.xori %or3A_140, %add3A_133 : vector<512x512xi32>
    %add3A_142 = arith.addi %add3A_133, %xor3A_141 : vector<512x512xi32>
    %shift_left3A_143 = arith.constant 29 : i32
    %shift_left3A_144 = vector.broadcast %shift_left3A_143 : i32 to vector<512x512xi32>
    %shift_left3A_145 = arith.shli %xor3A_141, %shift_left3A_144 : vector<512x512xi32>
    %shift_right_logical3A_146 = arith.constant 3 : i32
    %shift_right_logical3A_147 = vector.broadcast %shift_right_logical3A_146 : i32 to vector<512x512xi32>
    %shift_right_logical3A_148 = arith.shrui %xor3A_141, %shift_right_logical3A_147 : vector<512x512xi32>
    %or3A_149 = arith.ori %shift_left3A_145, %shift_right_logical3A_148 : vector<512x512xi32>
    %xor3A_150 = arith.xori %or3A_149, %add3A_142 : vector<512x512xi32>
    %add3A_151 = arith.addi %add3A_142, %xor3A_150 : vector<512x512xi32>
    %shift_left3A_152 = arith.constant 16 : i32
    %shift_left3A_153 = vector.broadcast %shift_left3A_152 : i32 to vector<512x512xi32>
    %shift_left3A_154 = arith.shli %xor3A_150, %shift_left3A_153 : vector<512x512xi32>
    %shift_right_logical3A_155 = arith.constant 16 : i32
    %shift_right_logical3A_156 = vector.broadcast %shift_right_logical3A_155 : i32 to vector<512x512xi32>
    %shift_right_logical3A_157 = arith.shrui %xor3A_150, %shift_right_logical3A_156 : vector<512x512xi32>
    %or3A_158 = arith.ori %shift_left3A_154, %shift_right_logical3A_157 : vector<512x512xi32>
    %xor3A_159 = arith.xori %or3A_158, %add3A_151 : vector<512x512xi32>
    %add3A_160 = arith.addi %add3A_151, %xor3A_159 : vector<512x512xi32>
    %shift_left3A_161 = arith.constant 24 : i32
    %shift_left3A_162 = vector.broadcast %shift_left3A_161 : i32 to vector<512x512xi32>
    %shift_left3A_163 = arith.shli %xor3A_159, %shift_left3A_162 : vector<512x512xi32>
    %shift_right_logical3A_164 = arith.constant 8 : i32
    %shift_right_logical3A_165 = vector.broadcast %shift_right_logical3A_164 : i32 to vector<512x512xi32>
    %shift_right_logical3A_166 = arith.shrui %xor3A_159, %shift_right_logical3A_165 : vector<512x512xi32>
    %or3A_167 = arith.ori %shift_left3A_163, %shift_right_logical3A_166 : vector<512x512xi32>
    %xor3A_168 = arith.xori %or3A_167, %add3A_160 : vector<512x512xi32>
    %add3A_169 = arith.constant 466688987 : i32
    %add3A_170 = vector.broadcast %add3A_169 : i32 to vector<512x512xi32>
    %add3A_171 = arith.addi %add3A_160, %add3A_170 : vector<512x512xi32>
    %add3A_172 = arith.constant 0 : i32
    %add3A_173 = vector.broadcast %add3A_172 : i32 to vector<512x512xi32>
    %add3A_174 = arith.addi %xor3A_168, %add3A_173 : vector<512x512xi32>
    %add3A_175 = arith.constant 2 : i32
    %add3A_176 = vector.broadcast %add3A_175 : i32 to vector<512x512xi32>
    %add3A_177 = arith.addi %add3A_174, %add3A_176 : vector<512x512xi32>
    %add3A_178 = arith.addi %add3A_171, %add3A_177 : vector<512x512xi32>
    %shift_left3A_179 = arith.constant 13 : i32
    %shift_left3A_180 = vector.broadcast %shift_left3A_179 : i32 to vector<512x512xi32>
    %shift_left3A_181 = arith.shli %add3A_177, %shift_left3A_180 : vector<512x512xi32>
    %shift_right_logical3A_182 = arith.constant 19 : i32
    %shift_right_logical3A_183 = vector.broadcast %shift_right_logical3A_182 : i32 to vector<512x512xi32>
    %shift_right_logical3A_184 = arith.shrui %add3A_177, %shift_right_logical3A_183 : vector<512x512xi32>
    %or3A_185 = arith.ori %shift_left3A_181, %shift_right_logical3A_184 : vector<512x512xi32>
    %xor3A_186 = arith.xori %or3A_185, %add3A_178 : vector<512x512xi32>
    %add3A_187 = arith.addi %add3A_178, %xor3A_186 : vector<512x512xi32>
    %shift_left3A_188 = arith.constant 15 : i32
    %shift_left3A_189 = vector.broadcast %shift_left3A_188 : i32 to vector<512x512xi32>
    %shift_left3A_190 = arith.shli %xor3A_186, %shift_left3A_189 : vector<512x512xi32>
    %shift_right_logical3A_191 = arith.constant 17 : i32
    %shift_right_logical3A_192 = vector.broadcast %shift_right_logical3A_191 : i32 to vector<512x512xi32>
    %shift_right_logical3A_193 = arith.shrui %xor3A_186, %shift_right_logical3A_192 : vector<512x512xi32>
    %or3A_194 = arith.ori %shift_left3A_190, %shift_right_logical3A_193 : vector<512x512xi32>
    %xor3A_195 = arith.xori %or3A_194, %add3A_187 : vector<512x512xi32>
    %add3A_196 = arith.addi %add3A_187, %xor3A_195 : vector<512x512xi32>
    %shift_left3A_197 = arith.constant 26 : i32
    %shift_left3A_198 = vector.broadcast %shift_left3A_197 : i32 to vector<512x512xi32>
    %shift_left3A_199 = arith.shli %xor3A_195, %shift_left3A_198 : vector<512x512xi32>
    %shift_right_logical3A_200 = arith.constant 6 : i32
    %shift_right_logical3A_201 = vector.broadcast %shift_right_logical3A_200 : i32 to vector<512x512xi32>
    %shift_right_logical3A_202 = arith.shrui %xor3A_195, %shift_right_logical3A_201 : vector<512x512xi32>
    %or3A_203 = arith.ori %shift_left3A_199, %shift_right_logical3A_202 : vector<512x512xi32>
    %xor3A_204 = arith.xori %or3A_203, %add3A_196 : vector<512x512xi32>
    %add3A_205 = arith.addi %add3A_196, %xor3A_204 : vector<512x512xi32>
    %shift_left3A_206 = arith.constant 6 : i32
    %shift_left3A_207 = vector.broadcast %shift_left3A_206 : i32 to vector<512x512xi32>
    %shift_left3A_208 = arith.shli %xor3A_204, %shift_left3A_207 : vector<512x512xi32>
    %shift_right_logical3A_209 = arith.constant 26 : i32
    %shift_right_logical3A_210 = vector.broadcast %shift_right_logical3A_209 : i32 to vector<512x512xi32>
    %shift_right_logical3A_211 = arith.shrui %xor3A_204, %shift_right_logical3A_210 : vector<512x512xi32>
    %or3A_212 = arith.ori %shift_left3A_208, %shift_right_logical3A_211 : vector<512x512xi32>
    %xor3A_213 = arith.xori %or3A_212, %add3A_205 : vector<512x512xi32>
    %add3A_214 = arith.constant 0 : i32
    %add3A_215 = vector.broadcast %add3A_214 : i32 to vector<512x512xi32>
    %add3A_216 = arith.addi %add3A_205, %add3A_215 : vector<512x512xi32>
    %add3A_217 = arith.constant 1 : i32
    %add3A_218 = vector.broadcast %add3A_217 : i32 to vector<512x512xi32>
    %add3A_219 = arith.addi %xor3A_213, %add3A_218 : vector<512x512xi32>
    %add3A_220 = arith.constant 3 : i32
    %add3A_221 = vector.broadcast %add3A_220 : i32 to vector<512x512xi32>
    %add3A_222 = arith.addi %add3A_219, %add3A_221 : vector<512x512xi32>
    %add3A_223 = arith.addi %add3A_216, %add3A_222 : vector<512x512xi32>
    %shift_left3A_224 = arith.constant 17 : i32
    %shift_left3A_225 = vector.broadcast %shift_left3A_224 : i32 to vector<512x512xi32>
    %shift_left3A_226 = arith.shli %add3A_222, %shift_left3A_225 : vector<512x512xi32>
    %shift_right_logical3A_227 = arith.constant 15 : i32
    %shift_right_logical3A_228 = vector.broadcast %shift_right_logical3A_227 : i32 to vector<512x512xi32>
    %shift_right_logical3A_229 = arith.shrui %add3A_222, %shift_right_logical3A_228 : vector<512x512xi32>
    %or3A_230 = arith.ori %shift_left3A_226, %shift_right_logical3A_229 : vector<512x512xi32>
    %xor3A_231 = arith.xori %or3A_230, %add3A_223 : vector<512x512xi32>
    %add3A_232 = arith.addi %add3A_223, %xor3A_231 : vector<512x512xi32>
    %shift_left3A_233 = arith.constant 29 : i32
    %shift_left3A_234 = vector.broadcast %shift_left3A_233 : i32 to vector<512x512xi32>
    %shift_left3A_235 = arith.shli %xor3A_231, %shift_left3A_234 : vector<512x512xi32>
    %shift_right_logical3A_236 = arith.constant 3 : i32
    %shift_right_logical3A_237 = vector.broadcast %shift_right_logical3A_236 : i32 to vector<512x512xi32>
    %shift_right_logical3A_238 = arith.shrui %xor3A_231, %shift_right_logical3A_237 : vector<512x512xi32>
    %or3A_239 = arith.ori %shift_left3A_235, %shift_right_logical3A_238 : vector<512x512xi32>
    %xor3A_240 = arith.xori %or3A_239, %add3A_232 : vector<512x512xi32>
    %add3A_241 = arith.addi %add3A_232, %xor3A_240 : vector<512x512xi32>
    %shift_left3A_242 = arith.constant 16 : i32
    %shift_left3A_243 = vector.broadcast %shift_left3A_242 : i32 to vector<512x512xi32>
    %shift_left3A_244 = arith.shli %xor3A_240, %shift_left3A_243 : vector<512x512xi32>
    %shift_right_logical3A_245 = arith.constant 16 : i32
    %shift_right_logical3A_246 = vector.broadcast %shift_right_logical3A_245 : i32 to vector<512x512xi32>
    %shift_right_logical3A_247 = arith.shrui %xor3A_240, %shift_right_logical3A_246 : vector<512x512xi32>
    %or3A_248 = arith.ori %shift_left3A_244, %shift_right_logical3A_247 : vector<512x512xi32>
    %xor3A_249 = arith.xori %or3A_248, %add3A_241 : vector<512x512xi32>
    %add3A_250 = arith.addi %add3A_241, %xor3A_249 : vector<512x512xi32>
    %shift_left3A_251 = arith.constant 24 : i32
    %shift_left3A_252 = vector.broadcast %shift_left3A_251 : i32 to vector<512x512xi32>
    %shift_left3A_253 = arith.shli %xor3A_249, %shift_left3A_252 : vector<512x512xi32>
    %shift_right_logical3A_254 = arith.constant 8 : i32
    %shift_right_logical3A_255 = vector.broadcast %shift_right_logical3A_254 : i32 to vector<512x512xi32>
    %shift_right_logical3A_256 = arith.shrui %xor3A_249, %shift_right_logical3A_255 : vector<512x512xi32>
    %or3A_257 = arith.ori %shift_left3A_253, %shift_right_logical3A_256 : vector<512x512xi32>
    %xor3A_258 = arith.xori %or3A_257, %add3A_250 : vector<512x512xi32>
    %add3A_259 = arith.constant 1 : i32
    %add3A_260 = vector.broadcast %add3A_259 : i32 to vector<512x512xi32>
    %add3A_261 = arith.addi %add3A_250, %add3A_260 : vector<512x512xi32>
    %add3A_262 = arith.constant 466688987 : i32
    %add3A_263 = vector.broadcast %add3A_262 : i32 to vector<512x512xi32>
    %add3A_264 = arith.addi %xor3A_258, %add3A_263 : vector<512x512xi32>
    %add3A_265 = arith.constant 4 : i32
    %add3A_266 = vector.broadcast %add3A_265 : i32 to vector<512x512xi32>
    %add3A_267 = arith.addi %add3A_264, %add3A_266 : vector<512x512xi32>
    %add3A_268 = arith.addi %add3A_261, %add3A_267 : vector<512x512xi32>
    %shift_left3A_269 = arith.constant 13 : i32
    %shift_left3A_270 = vector.broadcast %shift_left3A_269 : i32 to vector<512x512xi32>
    %shift_left3A_271 = arith.shli %add3A_267, %shift_left3A_270 : vector<512x512xi32>
    %shift_right_logical3A_272 = arith.constant 19 : i32
    %shift_right_logical3A_273 = vector.broadcast %shift_right_logical3A_272 : i32 to vector<512x512xi32>
    %shift_right_logical3A_274 = arith.shrui %add3A_267, %shift_right_logical3A_273 : vector<512x512xi32>
    %or3A_275 = arith.ori %shift_left3A_271, %shift_right_logical3A_274 : vector<512x512xi32>
    %xor3A_276 = arith.xori %or3A_275, %add3A_268 : vector<512x512xi32>
    %add3A_277 = arith.addi %add3A_268, %xor3A_276 : vector<512x512xi32>
    %shift_left3A_278 = arith.constant 15 : i32
    %shift_left3A_279 = vector.broadcast %shift_left3A_278 : i32 to vector<512x512xi32>
    %shift_left3A_280 = arith.shli %xor3A_276, %shift_left3A_279 : vector<512x512xi32>
    %shift_right_logical3A_281 = arith.constant 17 : i32
    %shift_right_logical3A_282 = vector.broadcast %shift_right_logical3A_281 : i32 to vector<512x512xi32>
    %shift_right_logical3A_283 = arith.shrui %xor3A_276, %shift_right_logical3A_282 : vector<512x512xi32>
    %or3A_284 = arith.ori %shift_left3A_280, %shift_right_logical3A_283 : vector<512x512xi32>
    %xor3A_285 = arith.xori %or3A_284, %add3A_277 : vector<512x512xi32>
    %add3A_286 = arith.addi %add3A_277, %xor3A_285 : vector<512x512xi32>
    %shift_left3A_287 = arith.constant 26 : i32
    %shift_left3A_288 = vector.broadcast %shift_left3A_287 : i32 to vector<512x512xi32>
    %shift_left3A_289 = arith.shli %xor3A_285, %shift_left3A_288 : vector<512x512xi32>
    %shift_right_logical3A_290 = arith.constant 6 : i32
    %shift_right_logical3A_291 = vector.broadcast %shift_right_logical3A_290 : i32 to vector<512x512xi32>
    %shift_right_logical3A_292 = arith.shrui %xor3A_285, %shift_right_logical3A_291 : vector<512x512xi32>
    %or3A_293 = arith.ori %shift_left3A_289, %shift_right_logical3A_292 : vector<512x512xi32>
    %xor3A_294 = arith.xori %or3A_293, %add3A_286 : vector<512x512xi32>
    %add3A_295 = arith.addi %add3A_286, %xor3A_294 : vector<512x512xi32>
    %shift_left3A_296 = arith.constant 6 : i32
    %shift_left3A_297 = vector.broadcast %shift_left3A_296 : i32 to vector<512x512xi32>
    %shift_left3A_298 = arith.shli %xor3A_294, %shift_left3A_297 : vector<512x512xi32>
    %shift_right_logical3A_299 = arith.constant 26 : i32
    %shift_right_logical3A_300 = vector.broadcast %shift_right_logical3A_299 : i32 to vector<512x512xi32>
    %shift_right_logical3A_301 = arith.shrui %xor3A_294, %shift_right_logical3A_300 : vector<512x512xi32>
    %or3A_302 = arith.ori %shift_left3A_298, %shift_right_logical3A_301 : vector<512x512xi32>
    %xor3A_303 = arith.xori %or3A_302, %add3A_295 : vector<512x512xi32>
    %add3A_304 = arith.constant 466688987 : i32
    %add3A_305 = vector.broadcast %add3A_304 : i32 to vector<512x512xi32>
    %add3A_306 = arith.addi %add3A_295, %add3A_305 : vector<512x512xi32>
    %add3A_307 = arith.constant 0 : i32
    %add3A_308 = vector.broadcast %add3A_307 : i32 to vector<512x512xi32>
    %add3A_309 = arith.addi %xor3A_303, %add3A_308 : vector<512x512xi32>
    %add3A_310 = arith.constant 5 : i32
    %add3A_311 = vector.broadcast %add3A_310 : i32 to vector<512x512xi32>
    %add3A_312 = arith.addi %add3A_309, %add3A_311 : vector<512x512xi32>
    %convert_element_type3A = arith.sitofp %add3A_306 : vector<512x512xi32> to vector<512x512xf32>
    %mul3A_313 = arith.constant 2.32830644E-10 : f32
    %mul3A_314 = vector.broadcast %mul3A_313 : f32 to vector<512x512xf32>
    %mul3A_315 = arith.mulf %convert_element_type3A, %mul3A_314 : vector<512x512xf32>
    %lt3A = arith.constant 0 : i32
    %lt3A_316 = vector.broadcast %lt3A : i32 to vector<512x512xi32>
    %lt3A_317 = arith.cmpi slt, %add3A_306, %lt3A_316 : vector<512x512xi32>
    %jit3A = arith.constant 1.000000e+00 : f32
    %jit3A_318 = arith.constant 0.000000e+00 : f32
    %broadcast_in_dim3A_319 = vector.broadcast %jit3A : f32 to vector<512x512xf32>
    %broadcast_in_dim3A_320 = vector.broadcast %jit3A_318 : f32 to vector<512x512xf32>
    %select_n3A_321 = arith.select %lt3A_317, %broadcast_in_dim3A_319, %broadcast_in_dim3A_320 : vector<512x512xi1>, vector<512x512xf32>
    %add3A_322 = arith.addf %mul3A_315, %select_n3A_321 : vector<512x512xf32>
    %shift_right_logical3A_323 = arith.constant 12 : i32
    %shift_right_logical3A_324 = vector.broadcast %shift_right_logical3A_323 : i32 to vector<512x512xi32>
    %shift_right_logical3A_325 = arith.shrui %add3A_312, %shift_right_logical3A_324 : vector<512x512xi32>
    %convert_element_type3A_326 = arith.sitofp %shift_right_logical3A_325 : vector<512x512xi32> to vector<512x512xf32>
    %mul3A_327 = arith.constant 2.22044605E-16 : f32
    %mul3A_328 = vector.broadcast %mul3A_327 : f32 to vector<512x512xf32>
    %mul3A_329 = arith.mulf %convert_element_type3A_326, %mul3A_328 : vector<512x512xf32>
    %add3A_330 = arith.addf %add3A_322, %mul3A_329 : vector<512x512xf32>
    %min3A = arith.constant 1.000000e+00 : f32
    %min3A_331 = vector.broadcast %min3A : f32 to vector<512x512xf32>
    %min3A_332 = arith.minimumf %add3A_330, %min3A_331 : vector<512x512xf32>
    %log3A = math.log %min3A_332 : vector<512x512xf32>
    %neg3A_333 = arith.constant 0.000000e+00 : f32
    %neg3A_334 = vector.broadcast %neg3A_333 : f32 to vector<512x512xf32>
    %neg3A_335 = arith.subf %neg3A_334, %log3A : vector<512x512xf32>
    %log3A_336 = math.log %neg3A_335 : vector<512x512xf32>
    %neg3A_337 = arith.constant 0.000000e+00 : f32
    %neg3A_338 = vector.broadcast %neg3A_337 : f32 to vector<512x512xf32>
    %neg3A_339 = arith.subf %neg3A_338, %log3A_336 : vector<512x512xf32>
    %mul3A_340 = arith.constant 2 : i32
    %mul3A_341 = vector.broadcast %mul3A_340 : i32 to vector<512x512xi32>
    %mul3A_342 = arith.muli %add3A_84, %mul3A_341 : vector<512x512xi32>
    %add3A_343 = arith.constant 1 : i32
    %add3A_344 = vector.broadcast %add3A_343 : i32 to vector<512x512xi32>
    %add3A_345 = arith.addi %mul3A_342, %add3A_344 : vector<512x512xi32>
    %broadcast_in_dim3A_346 = arith.constant 0 : i32
    %broadcast_in_dim3A_347 = vector.broadcast %broadcast_in_dim3A_346 : i32 to vector<512x512xi32>
    %add3A_348 = arith.constant 1 : i32
    %add3A_349 = vector.broadcast %add3A_348 : i32 to vector<512x512xi32>
    %add3A_350 = arith.addi %add3A_345, %add3A_349 : vector<512x512xi32>
    %add3A_351 = arith.addi %broadcast_in_dim3A_347, %add3A_350 : vector<512x512xi32>
    %shift_left3A_352 = arith.constant 13 : i32
    %shift_left3A_353 = vector.broadcast %shift_left3A_352 : i32 to vector<512x512xi32>
    %shift_left3A_354 = arith.shli %add3A_350, %shift_left3A_353 : vector<512x512xi32>
    %shift_right_logical3A_355 = arith.constant 19 : i32
    %shift_right_logical3A_356 = vector.broadcast %shift_right_logical3A_355 : i32 to vector<512x512xi32>
    %shift_right_logical3A_357 = arith.shrui %add3A_350, %shift_right_logical3A_356 : vector<512x512xi32>
    %or3A_358 = arith.ori %shift_left3A_354, %shift_right_logical3A_357 : vector<512x512xi32>
    %xor3A_359 = arith.xori %or3A_358, %add3A_351 : vector<512x512xi32>
    %add3A_360 = arith.addi %add3A_351, %xor3A_359 : vector<512x512xi32>
    %shift_left3A_361 = arith.constant 15 : i32
    %shift_left3A_362 = vector.broadcast %shift_left3A_361 : i32 to vector<512x512xi32>
    %shift_left3A_363 = arith.shli %xor3A_359, %shift_left3A_362 : vector<512x512xi32>
    %shift_right_logical3A_364 = arith.constant 17 : i32
    %shift_right_logical3A_365 = vector.broadcast %shift_right_logical3A_364 : i32 to vector<512x512xi32>
    %shift_right_logical3A_366 = arith.shrui %xor3A_359, %shift_right_logical3A_365 : vector<512x512xi32>
    %or3A_367 = arith.ori %shift_left3A_363, %shift_right_logical3A_366 : vector<512x512xi32>
    %xor3A_368 = arith.xori %or3A_367, %add3A_360 : vector<512x512xi32>
    %add3A_369 = arith.addi %add3A_360, %xor3A_368 : vector<512x512xi32>
    %shift_left3A_370 = arith.constant 26 : i32
    %shift_left3A_371 = vector.broadcast %shift_left3A_370 : i32 to vector<512x512xi32>
    %shift_left3A_372 = arith.shli %xor3A_368, %shift_left3A_371 : vector<512x512xi32>
    %shift_right_logical3A_373 = arith.constant 6 : i32
    %shift_right_logical3A_374 = vector.broadcast %shift_right_logical3A_373 : i32 to vector<512x512xi32>
    %shift_right_logical3A_375 = arith.shrui %xor3A_368, %shift_right_logical3A_374 : vector<512x512xi32>
    %or3A_376 = arith.ori %shift_left3A_372, %shift_right_logical3A_375 : vector<512x512xi32>
    %xor3A_377 = arith.xori %or3A_376, %add3A_369 : vector<512x512xi32>
    %add3A_378 = arith.addi %add3A_369, %xor3A_377 : vector<512x512xi32>
    %shift_left3A_379 = arith.constant 6 : i32
    %shift_left3A_380 = vector.broadcast %shift_left3A_379 : i32 to vector<512x512xi32>
    %shift_left3A_381 = arith.shli %xor3A_377, %shift_left3A_380 : vector<512x512xi32>
    %shift_right_logical3A_382 = arith.constant 26 : i32
    %shift_right_logical3A_383 = vector.broadcast %shift_right_logical3A_382 : i32 to vector<512x512xi32>
    %shift_right_logical3A_384 = arith.shrui %xor3A_377, %shift_right_logical3A_383 : vector<512x512xi32>
    %or3A_385 = arith.ori %shift_left3A_381, %shift_right_logical3A_384 : vector<512x512xi32>
    %xor3A_386 = arith.xori %or3A_385, %add3A_378 : vector<512x512xi32>
    %add3A_387 = arith.constant 1 : i32
    %add3A_388 = vector.broadcast %add3A_387 : i32 to vector<512x512xi32>
    %add3A_389 = arith.addi %add3A_378, %add3A_388 : vector<512x512xi32>
    %add3A_390 = arith.constant 466688987 : i32
    %add3A_391 = vector.broadcast %add3A_390 : i32 to vector<512x512xi32>
    %add3A_392 = arith.addi %xor3A_386, %add3A_391 : vector<512x512xi32>
    %add3A_393 = arith.constant 1 : i32
    %add3A_394 = vector.broadcast %add3A_393 : i32 to vector<512x512xi32>
    %add3A_395 = arith.addi %add3A_392, %add3A_394 : vector<512x512xi32>
    %add3A_396 = arith.addi %add3A_389, %add3A_395 : vector<512x512xi32>
    %shift_left3A_397 = arith.constant 17 : i32
    %shift_left3A_398 = vector.broadcast %shift_left3A_397 : i32 to vector<512x512xi32>
    %shift_left3A_399 = arith.shli %add3A_395, %shift_left3A_398 : vector<512x512xi32>
    %shift_right_logical3A_400 = arith.constant 15 : i32
    %shift_right_logical3A_401 = vector.broadcast %shift_right_logical3A_400 : i32 to vector<512x512xi32>
    %shift_right_logical3A_402 = arith.shrui %add3A_395, %shift_right_logical3A_401 : vector<512x512xi32>
    %or3A_403 = arith.ori %shift_left3A_399, %shift_right_logical3A_402 : vector<512x512xi32>
    %xor3A_404 = arith.xori %or3A_403, %add3A_396 : vector<512x512xi32>
    %add3A_405 = arith.addi %add3A_396, %xor3A_404 : vector<512x512xi32>
    %shift_left3A_406 = arith.constant 29 : i32
    %shift_left3A_407 = vector.broadcast %shift_left3A_406 : i32 to vector<512x512xi32>
    %shift_left3A_408 = arith.shli %xor3A_404, %shift_left3A_407 : vector<512x512xi32>
    %shift_right_logical3A_409 = arith.constant 3 : i32
    %shift_right_logical3A_410 = vector.broadcast %shift_right_logical3A_409 : i32 to vector<512x512xi32>
    %shift_right_logical3A_411 = arith.shrui %xor3A_404, %shift_right_logical3A_410 : vector<512x512xi32>
    %or3A_412 = arith.ori %shift_left3A_408, %shift_right_logical3A_411 : vector<512x512xi32>
    %xor3A_413 = arith.xori %or3A_412, %add3A_405 : vector<512x512xi32>
    %add3A_414 = arith.addi %add3A_405, %xor3A_413 : vector<512x512xi32>
    %shift_left3A_415 = arith.constant 16 : i32
    %shift_left3A_416 = vector.broadcast %shift_left3A_415 : i32 to vector<512x512xi32>
    %shift_left3A_417 = arith.shli %xor3A_413, %shift_left3A_416 : vector<512x512xi32>
    %shift_right_logical3A_418 = arith.constant 16 : i32
    %shift_right_logical3A_419 = vector.broadcast %shift_right_logical3A_418 : i32 to vector<512x512xi32>
    %shift_right_logical3A_420 = arith.shrui %xor3A_413, %shift_right_logical3A_419 : vector<512x512xi32>
    %or3A_421 = arith.ori %shift_left3A_417, %shift_right_logical3A_420 : vector<512x512xi32>
    %xor3A_422 = arith.xori %or3A_421, %add3A_414 : vector<512x512xi32>
    %add3A_423 = arith.addi %add3A_414, %xor3A_422 : vector<512x512xi32>
    %shift_left3A_424 = arith.constant 24 : i32
    %shift_left3A_425 = vector.broadcast %shift_left3A_424 : i32 to vector<512x512xi32>
    %shift_left3A_426 = arith.shli %xor3A_422, %shift_left3A_425 : vector<512x512xi32>
    %shift_right_logical3A_427 = arith.constant 8 : i32
    %shift_right_logical3A_428 = vector.broadcast %shift_right_logical3A_427 : i32 to vector<512x512xi32>
    %shift_right_logical3A_429 = arith.shrui %xor3A_422, %shift_right_logical3A_428 : vector<512x512xi32>
    %or3A_430 = arith.ori %shift_left3A_426, %shift_right_logical3A_429 : vector<512x512xi32>
    %xor3A_431 = arith.xori %or3A_430, %add3A_423 : vector<512x512xi32>
    %add3A_432 = arith.constant 466688987 : i32
    %add3A_433 = vector.broadcast %add3A_432 : i32 to vector<512x512xi32>
    %add3A_434 = arith.addi %add3A_423, %add3A_433 : vector<512x512xi32>
    %add3A_435 = arith.constant 0 : i32
    %add3A_436 = vector.broadcast %add3A_435 : i32 to vector<512x512xi32>
    %add3A_437 = arith.addi %xor3A_431, %add3A_436 : vector<512x512xi32>
    %add3A_438 = arith.constant 2 : i32
    %add3A_439 = vector.broadcast %add3A_438 : i32 to vector<512x512xi32>
    %add3A_440 = arith.addi %add3A_437, %add3A_439 : vector<512x512xi32>
    %add3A_441 = arith.addi %add3A_434, %add3A_440 : vector<512x512xi32>
    %shift_left3A_442 = arith.constant 13 : i32
    %shift_left3A_443 = vector.broadcast %shift_left3A_442 : i32 to vector<512x512xi32>
    %shift_left3A_444 = arith.shli %add3A_440, %shift_left3A_443 : vector<512x512xi32>
    %shift_right_logical3A_445 = arith.constant 19 : i32
    %shift_right_logical3A_446 = vector.broadcast %shift_right_logical3A_445 : i32 to vector<512x512xi32>
    %shift_right_logical3A_447 = arith.shrui %add3A_440, %shift_right_logical3A_446 : vector<512x512xi32>
    %or3A_448 = arith.ori %shift_left3A_444, %shift_right_logical3A_447 : vector<512x512xi32>
    %xor3A_449 = arith.xori %or3A_448, %add3A_441 : vector<512x512xi32>
    %add3A_450 = arith.addi %add3A_441, %xor3A_449 : vector<512x512xi32>
    %shift_left3A_451 = arith.constant 15 : i32
    %shift_left3A_452 = vector.broadcast %shift_left3A_451 : i32 to vector<512x512xi32>
    %shift_left3A_453 = arith.shli %xor3A_449, %shift_left3A_452 : vector<512x512xi32>
    %shift_right_logical3A_454 = arith.constant 17 : i32
    %shift_right_logical3A_455 = vector.broadcast %shift_right_logical3A_454 : i32 to vector<512x512xi32>
    %shift_right_logical3A_456 = arith.shrui %xor3A_449, %shift_right_logical3A_455 : vector<512x512xi32>
    %or3A_457 = arith.ori %shift_left3A_453, %shift_right_logical3A_456 : vector<512x512xi32>
    %xor3A_458 = arith.xori %or3A_457, %add3A_450 : vector<512x512xi32>
    %add3A_459 = arith.addi %add3A_450, %xor3A_458 : vector<512x512xi32>
    %shift_left3A_460 = arith.constant 26 : i32
    %shift_left3A_461 = vector.broadcast %shift_left3A_460 : i32 to vector<512x512xi32>
    %shift_left3A_462 = arith.shli %xor3A_458, %shift_left3A_461 : vector<512x512xi32>
    %shift_right_logical3A_463 = arith.constant 6 : i32
    %shift_right_logical3A_464 = vector.broadcast %shift_right_logical3A_463 : i32 to vector<512x512xi32>
    %shift_right_logical3A_465 = arith.shrui %xor3A_458, %shift_right_logical3A_464 : vector<512x512xi32>
    %or3A_466 = arith.ori %shift_left3A_462, %shift_right_logical3A_465 : vector<512x512xi32>
    %xor3A_467 = arith.xori %or3A_466, %add3A_459 : vector<512x512xi32>
    %add3A_468 = arith.addi %add3A_459, %xor3A_467 : vector<512x512xi32>
    %shift_left3A_469 = arith.constant 6 : i32
    %shift_left3A_470 = vector.broadcast %shift_left3A_469 : i32 to vector<512x512xi32>
    %shift_left3A_471 = arith.shli %xor3A_467, %shift_left3A_470 : vector<512x512xi32>
    %shift_right_logical3A_472 = arith.constant 26 : i32
    %shift_right_logical3A_473 = vector.broadcast %shift_right_logical3A_472 : i32 to vector<512x512xi32>
    %shift_right_logical3A_474 = arith.shrui %xor3A_467, %shift_right_logical3A_473 : vector<512x512xi32>
    %or3A_475 = arith.ori %shift_left3A_471, %shift_right_logical3A_474 : vector<512x512xi32>
    %xor3A_476 = arith.xori %or3A_475, %add3A_468 : vector<512x512xi32>
    %add3A_477 = arith.constant 0 : i32
    %add3A_478 = vector.broadcast %add3A_477 : i32 to vector<512x512xi32>
    %add3A_479 = arith.addi %add3A_468, %add3A_478 : vector<512x512xi32>
    %add3A_480 = arith.constant 1 : i32
    %add3A_481 = vector.broadcast %add3A_480 : i32 to vector<512x512xi32>
    %add3A_482 = arith.addi %xor3A_476, %add3A_481 : vector<512x512xi32>
    %add3A_483 = arith.constant 3 : i32
    %add3A_484 = vector.broadcast %add3A_483 : i32 to vector<512x512xi32>
    %add3A_485 = arith.addi %add3A_482, %add3A_484 : vector<512x512xi32>
    %add3A_486 = arith.addi %add3A_479, %add3A_485 : vector<512x512xi32>
    %shift_left3A_487 = arith.constant 17 : i32
    %shift_left3A_488 = vector.broadcast %shift_left3A_487 : i32 to vector<512x512xi32>
    %shift_left3A_489 = arith.shli %add3A_485, %shift_left3A_488 : vector<512x512xi32>
    %shift_right_logical3A_490 = arith.constant 15 : i32
    %shift_right_logical3A_491 = vector.broadcast %shift_right_logical3A_490 : i32 to vector<512x512xi32>
    %shift_right_logical3A_492 = arith.shrui %add3A_485, %shift_right_logical3A_491 : vector<512x512xi32>
    %or3A_493 = arith.ori %shift_left3A_489, %shift_right_logical3A_492 : vector<512x512xi32>
    %xor3A_494 = arith.xori %or3A_493, %add3A_486 : vector<512x512xi32>
    %add3A_495 = arith.addi %add3A_486, %xor3A_494 : vector<512x512xi32>
    %shift_left3A_496 = arith.constant 29 : i32
    %shift_left3A_497 = vector.broadcast %shift_left3A_496 : i32 to vector<512x512xi32>
    %shift_left3A_498 = arith.shli %xor3A_494, %shift_left3A_497 : vector<512x512xi32>
    %shift_right_logical3A_499 = arith.constant 3 : i32
    %shift_right_logical3A_500 = vector.broadcast %shift_right_logical3A_499 : i32 to vector<512x512xi32>
    %shift_right_logical3A_501 = arith.shrui %xor3A_494, %shift_right_logical3A_500 : vector<512x512xi32>
    %or3A_502 = arith.ori %shift_left3A_498, %shift_right_logical3A_501 : vector<512x512xi32>
    %xor3A_503 = arith.xori %or3A_502, %add3A_495 : vector<512x512xi32>
    %add3A_504 = arith.addi %add3A_495, %xor3A_503 : vector<512x512xi32>
    %shift_left3A_505 = arith.constant 16 : i32
    %shift_left3A_506 = vector.broadcast %shift_left3A_505 : i32 to vector<512x512xi32>
    %shift_left3A_507 = arith.shli %xor3A_503, %shift_left3A_506 : vector<512x512xi32>
    %shift_right_logical3A_508 = arith.constant 16 : i32
    %shift_right_logical3A_509 = vector.broadcast %shift_right_logical3A_508 : i32 to vector<512x512xi32>
    %shift_right_logical3A_510 = arith.shrui %xor3A_503, %shift_right_logical3A_509 : vector<512x512xi32>
    %or3A_511 = arith.ori %shift_left3A_507, %shift_right_logical3A_510 : vector<512x512xi32>
    %xor3A_512 = arith.xori %or3A_511, %add3A_504 : vector<512x512xi32>
    %add3A_513 = arith.addi %add3A_504, %xor3A_512 : vector<512x512xi32>
    %shift_left3A_514 = arith.constant 24 : i32
    %shift_left3A_515 = vector.broadcast %shift_left3A_514 : i32 to vector<512x512xi32>
    %shift_left3A_516 = arith.shli %xor3A_512, %shift_left3A_515 : vector<512x512xi32>
    %shift_right_logical3A_517 = arith.constant 8 : i32
    %shift_right_logical3A_518 = vector.broadcast %shift_right_logical3A_517 : i32 to vector<512x512xi32>
    %shift_right_logical3A_519 = arith.shrui %xor3A_512, %shift_right_logical3A_518 : vector<512x512xi32>
    %or3A_520 = arith.ori %shift_left3A_516, %shift_right_logical3A_519 : vector<512x512xi32>
    %xor3A_521 = arith.xori %or3A_520, %add3A_513 : vector<512x512xi32>
    %add3A_522 = arith.constant 1 : i32
    %add3A_523 = vector.broadcast %add3A_522 : i32 to vector<512x512xi32>
    %add3A_524 = arith.addi %add3A_513, %add3A_523 : vector<512x512xi32>
    %add3A_525 = arith.constant 466688987 : i32
    %add3A_526 = vector.broadcast %add3A_525 : i32 to vector<512x512xi32>
    %add3A_527 = arith.addi %xor3A_521, %add3A_526 : vector<512x512xi32>
    %add3A_528 = arith.constant 4 : i32
    %add3A_529 = vector.broadcast %add3A_528 : i32 to vector<512x512xi32>
    %add3A_530 = arith.addi %add3A_527, %add3A_529 : vector<512x512xi32>
    %add3A_531 = arith.addi %add3A_524, %add3A_530 : vector<512x512xi32>
    %shift_left3A_532 = arith.constant 13 : i32
    %shift_left3A_533 = vector.broadcast %shift_left3A_532 : i32 to vector<512x512xi32>
    %shift_left3A_534 = arith.shli %add3A_530, %shift_left3A_533 : vector<512x512xi32>
    %shift_right_logical3A_535 = arith.constant 19 : i32
    %shift_right_logical3A_536 = vector.broadcast %shift_right_logical3A_535 : i32 to vector<512x512xi32>
    %shift_right_logical3A_537 = arith.shrui %add3A_530, %shift_right_logical3A_536 : vector<512x512xi32>
    %or3A_538 = arith.ori %shift_left3A_534, %shift_right_logical3A_537 : vector<512x512xi32>
    %xor3A_539 = arith.xori %or3A_538, %add3A_531 : vector<512x512xi32>
    %add3A_540 = arith.addi %add3A_531, %xor3A_539 : vector<512x512xi32>
    %shift_left3A_541 = arith.constant 15 : i32
    %shift_left3A_542 = vector.broadcast %shift_left3A_541 : i32 to vector<512x512xi32>
    %shift_left3A_543 = arith.shli %xor3A_539, %shift_left3A_542 : vector<512x512xi32>
    %shift_right_logical3A_544 = arith.constant 17 : i32
    %shift_right_logical3A_545 = vector.broadcast %shift_right_logical3A_544 : i32 to vector<512x512xi32>
    %shift_right_logical3A_546 = arith.shrui %xor3A_539, %shift_right_logical3A_545 : vector<512x512xi32>
    %or3A_547 = arith.ori %shift_left3A_543, %shift_right_logical3A_546 : vector<512x512xi32>
    %xor3A_548 = arith.xori %or3A_547, %add3A_540 : vector<512x512xi32>
    %add3A_549 = arith.addi %add3A_540, %xor3A_548 : vector<512x512xi32>
    %shift_left3A_550 = arith.constant 26 : i32
    %shift_left3A_551 = vector.broadcast %shift_left3A_550 : i32 to vector<512x512xi32>
    %shift_left3A_552 = arith.shli %xor3A_548, %shift_left3A_551 : vector<512x512xi32>
    %shift_right_logical3A_553 = arith.constant 6 : i32
    %shift_right_logical3A_554 = vector.broadcast %shift_right_logical3A_553 : i32 to vector<512x512xi32>
    %shift_right_logical3A_555 = arith.shrui %xor3A_548, %shift_right_logical3A_554 : vector<512x512xi32>
    %or3A_556 = arith.ori %shift_left3A_552, %shift_right_logical3A_555 : vector<512x512xi32>
    %xor3A_557 = arith.xori %or3A_556, %add3A_549 : vector<512x512xi32>
    %add3A_558 = arith.addi %add3A_549, %xor3A_557 : vector<512x512xi32>
    %shift_left3A_559 = arith.constant 6 : i32
    %shift_left3A_560 = vector.broadcast %shift_left3A_559 : i32 to vector<512x512xi32>
    %shift_left3A_561 = arith.shli %xor3A_557, %shift_left3A_560 : vector<512x512xi32>
    %shift_right_logical3A_562 = arith.constant 26 : i32
    %shift_right_logical3A_563 = vector.broadcast %shift_right_logical3A_562 : i32 to vector<512x512xi32>
    %shift_right_logical3A_564 = arith.shrui %xor3A_557, %shift_right_logical3A_563 : vector<512x512xi32>
    %or3A_565 = arith.ori %shift_left3A_561, %shift_right_logical3A_564 : vector<512x512xi32>
    %xor3A_566 = arith.xori %or3A_565, %add3A_558 : vector<512x512xi32>
    %add3A_567 = arith.constant 466688987 : i32
    %add3A_568 = vector.broadcast %add3A_567 : i32 to vector<512x512xi32>
    %add3A_569 = arith.addi %add3A_558, %add3A_568 : vector<512x512xi32>
    %add3A_570 = arith.constant 0 : i32
    %add3A_571 = vector.broadcast %add3A_570 : i32 to vector<512x512xi32>
    %add3A_572 = arith.addi %xor3A_566, %add3A_571 : vector<512x512xi32>
    %add3A_573 = arith.constant 5 : i32
    %add3A_574 = vector.broadcast %add3A_573 : i32 to vector<512x512xi32>
    %add3A_575 = arith.addi %add3A_572, %add3A_574 : vector<512x512xi32>
    %convert_element_type3A_576 = arith.sitofp %add3A_569 : vector<512x512xi32> to vector<512x512xf32>
    %mul3A_577 = arith.constant 2.32830644E-10 : f32
    %mul3A_578 = vector.broadcast %mul3A_577 : f32 to vector<512x512xf32>
    %mul3A_579 = arith.mulf %convert_element_type3A_576, %mul3A_578 : vector<512x512xf32>
    %lt3A_580 = arith.constant 0 : i32
    %lt3A_581 = vector.broadcast %lt3A_580 : i32 to vector<512x512xi32>
    %lt3A_582 = arith.cmpi slt, %add3A_569, %lt3A_581 : vector<512x512xi32>
    %jit3A_583 = arith.constant 1.000000e+00 : f32
    %jit3A_584 = arith.constant 0.000000e+00 : f32
    %broadcast_in_dim3A_585 = vector.broadcast %jit3A_583 : f32 to vector<512x512xf32>
    %broadcast_in_dim3A_586 = vector.broadcast %jit3A_584 : f32 to vector<512x512xf32>
    %select_n3A_587 = arith.select %lt3A_582, %broadcast_in_dim3A_585, %broadcast_in_dim3A_586 : vector<512x512xi1>, vector<512x512xf32>
    %add3A_588 = arith.addf %mul3A_579, %select_n3A_587 : vector<512x512xf32>
    %shift_right_logical3A_589 = arith.constant 12 : i32
    %shift_right_logical3A_590 = vector.broadcast %shift_right_logical3A_589 : i32 to vector<512x512xi32>
    %shift_right_logical3A_591 = arith.shrui %add3A_575, %shift_right_logical3A_590 : vector<512x512xi32>
    %convert_element_type3A_592 = arith.sitofp %shift_right_logical3A_591 : vector<512x512xi32> to vector<512x512xf32>
    %mul3A_593 = arith.constant 2.22044605E-16 : f32
    %mul3A_594 = vector.broadcast %mul3A_593 : f32 to vector<512x512xf32>
    %mul3A_595 = arith.mulf %convert_element_type3A_592, %mul3A_594 : vector<512x512xf32>
    %add3A_596 = arith.addf %add3A_588, %mul3A_595 : vector<512x512xf32>
    %min3A_597 = arith.constant 1.000000e+00 : f32
    %min3A_598 = vector.broadcast %min3A_597 : f32 to vector<512x512xf32>
    %min3A_599 = arith.minimumf %add3A_596, %min3A_598 : vector<512x512xf32>
    %log3A_600 = math.log %min3A_599 : vector<512x512xf32>
    %neg3A_601 = arith.constant 0.000000e+00 : f32
    %neg3A_602 = vector.broadcast %neg3A_601 : f32 to vector<512x512xf32>
    %neg3A_603 = arith.subf %neg3A_602, %log3A_600 : vector<512x512xf32>
    %log3A_604 = math.log %neg3A_603 : vector<512x512xf32>
    %neg3A_605 = arith.constant 0.000000e+00 : f32
    %neg3A_606 = vector.broadcast %neg3A_605 : f32 to vector<512x512xf32>
    %neg3A_607 = arith.subf %neg3A_606, %log3A_604 : vector<512x512xf32>
    %max3A = arith.constant 1.000000e-30 : f32
    %max3A_608 = vector.broadcast %max3A : f32 to vector<512x512xf32>
    %max3A_609 = arith.maximumf %select_n3A, %max3A_608 : vector<512x512xf32>
    %log3A_610 = math.log %max3A_609 : vector<512x512xf32>
    %add3A_611 = arith.addf %log3A_610, %neg3A_339 : vector<512x512xf32>
    %max3A_612 = arith.constant 1.000000e-30 : f32
    %max3A_613 = vector.broadcast %max3A_612 : f32 to vector<512x512xf32>
    %max3A_614 = arith.maximumf %select_n3A_70, %max3A_613 : vector<512x512xf32>
    %log3A_615 = math.log %max3A_614 : vector<512x512xf32>
    %add3A_616 = arith.addf %log3A_615, %neg3A_607 : vector<512x512xf32>
    %gt3A = arith.cmpf ogt, %add3A_616, %add3A_611 : vector<512x512xf32>
    %gt3A_617 = arith.cmpf ogt, %div3A_47, %mul3A : vector<512x512xf32>
    %gt3A_618 = arith.constant 0 : i32
    %gt3A_619 = arith.cmpi sgt, %get3A_0, %gt3A_618 : i32
    %convert_element_type3A_620 = arith.extui %gt3A : vector<512x512xi1> to vector<512x512xi32>
    %convert_element_type3A_621 = arith.extui %gt3A_617 : vector<512x512xi1> to vector<512x512xi32>
    %select_n3A_622 = arith.select %gt3A_619, %convert_element_type3A_620, %convert_element_type3A_621 : vector<512x512xi32>
    %swap3A = arith.constant 0 : index
    %swap3A_623 = arith.constant 0 : index
    %swap3A_624 = arith.constant 0 : index
    %swap3A_625 = vector.load %arg6[%swap3A, %swap3A_623, %swap3A_624] : memref<1x512x512xi32, #tpu.memory_space<vmem>>, vector<1x512x512xi32>
    %swap3A_626 = vector.shape_cast %swap3A_625 : vector<1x512x512xi32> to vector<512x512xi32>
    %swap3A_627 = vector.shape_cast %select_n3A_622 : vector<512x512xi32> to vector<1x512x512xi32>
    tpu.vector_store %arg6[%swap3A, %swap3A_623, %swap3A_624], %swap3A_627 {strides = array<i32>} : memref<1x512x512xi32, #tpu.memory_space<vmem>>, vector<1x512x512xi32>,
    return
  }
  func.func @transform_0(%arg0: i32, %arg1: i32) -> i32 {
    %c0_i32 = arith.constant 0 : i32
    %c0_i32_0 = arith.constant 0 : i32
    return %c0_i32 : i32
  }
  func.func @transform_1(%arg0: i32, %arg1: i32) -> (i32, i32) {
    %c0_i32 = arith.constant 0 : i32
    %c0_i32_0 = arith.constant 0 : i32
    %c0_i32_1 = arith.constant 0 : i32
    return %c0_i32, %c0_i32_0 : i32, i32
  }
  func.func @transform_2(%arg0: i32, %arg1: i32) -> (i32, i32, i32) {
    %c0_i32 = arith.constant 0 : i32
    %c0_i32_0 = arith.constant 0 : i32
    return %arg0, %arg1, %c0_i32 : i32, i32, i32
  }
  func.func @transform_3(%arg0: i32, %arg1: i32) -> (i32, i32, i32, i32) {
    %c0_i32 = arith.constant 0 : i32
    %c0_i32_0 = arith.constant 0 : i32
    %c0_i32_1 = arith.constant 0 : i32
    return %arg0, %arg1, %c0_i32, %c0_i32_0 : i32, i32, i32, i32
  }
  func.func @transform_4(%arg0: i32, %arg1: i32) -> (i32, i32, i32) {
    %c0_i32 = arith.constant 0 : i32
    %c0_i32_0 = arith.constant 0 : i32
    return %arg0, %arg1, %c0_i32 : i32, i32, i32
  }
}

</mosaic_0001>

<sc_bundles>
// kernel: kernel.4.cloned.1.call-start
scs
__scs_entry_jumppad:
0x0: {  	(pc) =	sbr.rel $0x88, $3  }
0x1: {  	(tag) =	ssettag $0x0;
	lr =	simm.s32 $0x1  }
0x2: {  	[smem:$0x3F9C] =	sst lr;
	_ =	strace $0xD0000000  }
0x3: {  	_ = 	snop  }
0x4: {  	_ = 	snop  }
0x5: {  	_ = 	snop  }
0x6: {  	_ = 	snop  }
0x7: {  	_ = 	snop  }
__scs_overlays_trampoline_lowered:
0x8: {  	[smem:$0x3FAB] =	sst s0  }
0x9: {  	[smem:$0x3FAC] =	sst s1  }
0xa: {  	[smem:$0x3FAD] =	sst s2  }
0xb: {  	[smem:$0x3FAE] =	sst s3  }
0xc: {  	[smem:$0x3FAF] =	sst s4  }
0xd: {  	[smem:$0x3FB0] =	sst s5  }
0xe: {  	[smem:$0x3FB1] =	sst s6  }
0xf: {  	[smem:$0x3FB2] =	sst s7  }
0x10: {  	[smem:$0x3FB3] =	sst s8  }
0x11: {  	[smem:$0x3FB4] =	sst s9;
	s0 =	simm.s32 @!p0 $0x0  }
0x12: {  	s1 =	sld [smem:$0x3F9A];
	s0 =	simm.s32 @p0 $0x1  }
0x13: {  	[smem:$0x3FB5] =	sst s0;
	s0 =	simm.s32 @!p1 $0x0  }
0x14: {  	s2 =	sld [smem:$0x3F99];
	s0 =	simm.s32 @p1 $0x1  }
0x15: {  	[smem:$0x3FB6] =	sst s0;
	s0 =	simm.s32 @!p2 $0x0  }
0x16: {  	s3 =	sld [smem:$0x3FDB];
	s0 =	simm.s32 @p2 $0x1  }
0x17: {  	s4 =	simm.s32 $0x1BF5;
	[smem:$0x3FB8] =	sst s0  }
0x18: {  	s0 =	sld [smem:$0x3F9B];
	_ =	swait.ge [sflag:s4], $0x0  }
0x19: {  	s7 =	sld [smem:$0x3F9C]  }
0x1a: {  	s8 =	sadd.s32 $0xFFFFE003, lr  }
0x1b: {  	s9 =	sadd.s32 $0xFFFFFEF7, lr;
	s5 =	simm.s32 $0xFFFFFFFF;
	p2 =	slt.u32 s8, $0xFFFFF086  }
0x1c: {  	p1 =	slt.u32 s9, $0xF7A;
	s5 =	simm.s32 @!p2 $0x0  }
0x1d: {  	s5 =	simm.s32 @p1 $0x1;
	p0 =	seq.s32 s7, s2  }
0x1e: {  	s7 =	smul.u32 @!p0 $0xF7A, s2;
	p2 =	seq.s32 @!p0 s5, $0x0  }
0x1f: {  	s9 =	smul.u32 $0xF7A, s1;
	s8 =	simm.s32 @!p0 $0x1BF5;
	p2 =	por !p2, p0  }
0x20: {  	[sflag:s8] =	ssyncset.s32 @!p0 $0xFFFFF086;
	s6 =	sadd.s32 @!p0 s3, s7;
	s7 =	simm.s32 @!p0 $0x108  }
0x21: {  	s3 =	sadd.s32 s3, s9;
	s6 =	sadd.s32 @!p0 $0x88, s6;
	s7 =	simm.s32 @p2 $0x1082  }
0x22: {  	[simem:s7], [sflag:s8] =	dma.local @!p0 [hbm:s6], $0xF7A  }
0x23: {  	s9 =	sor.u32 $0xD0000000, s2;
	s6 =	simm.s32 $0x108;
	_ =	swait.ge @!p0 [sflag:s8], $0x0  }
0x24: {  	s3 =	sadd.s32 $0x88, s3;
	s6 =	simm.s32 @!p1 $0x1082;
	[sflag:s4] =	ssyncset.s32 $0xFFFFF086  }
0x25: {  	[simem:s6], [sflag:s4] =	dma.local [hbm:s3], $0xF7A  }
0x26: {  	[smem:$0x3F9C] =	sst s1;
	(tag) =	ssettag s2;
	_ =	strace s9  }
0x27: {  	s1 =	sld [smem:$0x3FAC]  }
0x28: {  	s2 =	sld [smem:$0x3FAD]  }
0x29: {  	s4 =	sld [smem:$0x3FAF]  }
0x2a: {  	p0 =	seq.s32 s5, $0x0;
	s5 =	sld [smem:$0x3FB0]  }
0x2b: {  	s6 =	sld [smem:$0x3FB1]  }
0x2c: {  	s7 =	sld [smem:$0x3FB2]  }
0x2d: {  	s3 =	simm.s32 $0x108;
	s8 =	sld [smem:$0x3FB3]  }
0x2e: {  	s3 =	simm.s32 @!p0 $0x1082;
	s9 =	sld [smem:$0x3FB4]  }
0x2f: {  	lr =	sadd.s32 s0, s3;
	s0 =	sld [smem:$0x3FAB]  }
0x30: {  	s3 =	sld [smem:$0x3FAE]  }
0x31: {  	[smem:$0x3FB7] =	sst s10  }
0x32: {  	s10 =	sld [smem:$0x3FB5];
	_ =	sdelay $0x3  }
0x33: {  	p0 =	seq.s32 s10, $0x1;
	s10 =	sld [smem:$0x3FB7];
	_ =	sdelay $0x3  }
0x34: {  	[smem:$0x3FB7] =	sst s10  }
0x35: {  	s10 =	sld [smem:$0x3FB6];
	_ =	sdelay $0x3  }
0x36: {  	p1 =	seq.s32 s10, $0x1;
	s10 =	sld [smem:$0x3FB7];
	_ =	sdelay $0x3  }
0x37: {  	[smem:$0x3FB7] =	sst s10  }
0x38: {  	s10 =	sld [smem:$0x3FB8]  }
0x39: {  	_ = 	snop;
	(pc) =	sbr.ind lr, $3  }
0x3a: {  	_ = 	snop  }
0x3b: {  	_ = 	snop  }
0x3c: {  	p2 =	seq.s32 s10, $0x1;
	s10 =	sld [smem:$0x3FB7]  }
0x3d: {  	_ =	shalt  }
0x3e: {  	_ =	shalt  }
0x3f: {  	_ =	shalt  }
0x40: {  	_ =	shalt  }
0x41: {  	_ =	shalt  }
0x42: {  	_ =	shalt  }
0x43: {  	_ =	shalt  }
0x44: {  	_ =	shalt  }
0x45: {  	_ =	shalt  }
0x46: {  	_ =	shalt  }
0x47: {  	_ =	shalt  }
0x48: {  	_ =	shalt  }
0x49: {  	_ =	shalt  }
0x4a: {  	_ =	shalt  }
0x4b: {  	_ =	shalt  }
0x4c: {  	_ =	shalt  }
0x4d: {  	_ =	shalt  }
0x4e: {  	_ =	shalt  }
0x4f: {  	_ =	shalt  }
0x50: {  	_ =	shalt  }
0x51: {  	_ =	shalt  }
0x52: {  	_ =	shalt  }
0x53: {  	_ =	shalt  }
0x54: {  	_ =	shalt  }
0x55: {  	_ =	shalt  }
0x56: {  	_ =	shalt  }
0x57: {  	_ =	shalt  }
0x58: {  	_ =	shalt  }
0x59: {  	_ =	shalt  }
0x5a: {  	_ =	shalt  }
0x5b: {  	_ =	shalt  }
0x5c: {  	_ =	shalt  }
0x5d: {  	_ =	shalt  }
0x5e: {  	_ =	shalt  }
0x5f: {  	_ =	shalt  }
0x60: {  	_ =	shalt  }
0x61: {  	_ =	shalt  }
0x62: {  	_ =	shalt  }
0x63: {  	_ =	shalt  }
0x64: {  	_ =	shalt  }
0x65: {  	_ =	shalt  }
0x66: {  	_ =	shalt  }
0x67: {  	_ =	shalt  }
0x68: {  	_ =	shalt  }
0x69: {  	_ =	shalt  }
0x6a: {  	_ =	shalt  }
0x6b: {  	_ =	shalt  }
0x6c: {  	_ =	shalt  }
0x6d: {  	_ =	shalt  }
0x6e: {  	_ =	shalt  }
0x6f: {  	_ =	shalt  }
0x70: {  	_ =	shalt  }
0x71: {  	_ =	shalt  }
0x72: {  	_ =	shalt  }
0x73: {  	_ =	shalt  }
0x74: {  	_ =	shalt  }
0x75: {  	_ =	shalt  }
0x76: {  	_ =	shalt  }
0x77: {  	_ =	shalt  }
0x78: {  	_ =	shalt  }
0x79: {  	_ =	shalt  }
0x7a: {  	_ =	shalt  }
0x7b: {  	_ =	shalt  }
0x7c: {  	_ =	shalt  }
0x7d: {  	_ =	shalt  }
0x7e: {  	_ =	shalt  }
0x7f: {  	_ =	shalt  }
0x80: {  	_ =	shalt  }
0x81: {  	_ =	shalt  }
0x82: {  	_ =	shalt  }
0x83: {  	_ =	shalt  }
0x84: {  	_ =	shalt  }
0x85: {  	_ =	shalt  }
0x86: {  	_ =	shalt  }
0x87: {  	_ =	shalt  }
.Lfunc_end0:
.L_simem_size_0:
called_computation_lowered:
.L_overlay_start_0:
0x88: {  	s2 =	sld [smem:$0x3FD9]  }
0x89: {  	s3 =	sld [smem:$0x3FFE];
	_ =	sdelay $0x1  }
0x8a: {  	s1 =	srdreg.scid  }
0x8b: {  	s0 =	sand.u32 $0x1, s1  }
0x8c: {  	s16 =	sshll.u32 s0, $0xA;
	s2 =	sadd.s32 s3, s2  }
0x8d: {  	s2 =	sadd.s32 s2, s16  }
0x8e: {  	[smem:$0x3FC3] =	sst s2  }
0x8f: {  	_ = 	snop  }
0x90: {  	(tm) =	ssettm $0x1  }
0x91: {  	s17 =	sld [smem:$0x3FFB];
	_ =	sdelay $0x3  }
0x92: {  	_ =	strace s17  }
0x93: {  	s2 =	sld [smem:$0x3FFC];
	_ =	sdelay $0x3  }
0x94: {  	_ =	strace s2  }
0x95: {  	s2 =	sld [smem:$0x3FFD];
	_ =	sdelay $0x3  }
0x96: {  	_ =	strace s2  }
0x97: {  	_ =	strace $0x8FFFFFFF  }
0x98: {  	s18 =	sld [smem:$0x3FDB];
	_ =	sdelay $0x1  }
0x99: {  	s19 =	simm.s32 $_scs_section_size  }
0x9a: {  	s4 =	simm.s32 $_size__tile_overlayer_lowered;
	s5 =	simm.s32 $_tile_overlayer_lowered  }
0x9b: {  	s22 =	simm.s32 $0x1BFF;
	s21 =	sshll.u32 s5, $0x1;
	s2 =	sadd.s32 s19, s18  }
0x9c: {  	s6 =	simm.s32 $0x0;
	s20 =	sshll.u32 s4, $0x1;
	s4 =	sadd.s32 s21, s2  }
0x9d: {  	[timem:s6], [sflag:s22] =	dma.local [hbm:s4], s20  }
0x9e: {  	_ =	swait.ge [sflag:s22], s20  }
0x9f: {  	s3 =	ssub.s32 $0x0, s20;
	[sflag:s22] =	ssyncset.done $0x0  }
0xa0: {  	[sflag:s22] =	ssyncadd.s32 s3;
	_ =	sdelay $0x1  }
0xa1: {  	s23 =	simm.s32 $0x1B8B  }
0xa2: {  	_ =	swait.ge [sflag:s23], $0x1  }
0xa3: {  	[sflag:s23] =	ssyncset.done $0x0  }
0xa4: {  	s25 =	simm.s32 $0x1B8E;
	s24 =	sld [smem:$0x3FFE];
	[sflag:s23] =	ssyncadd.s32 $0xFFFFFFFF  }
0xa5: {  	s26 =	simm.s32 $execute0_lowered;
	[smem:$0x3FD2] =	sst s25  }
0xa6: {  	s4 =	sshll.u32 s26, $0x1;
	_ =	strace $0x80000046;
	[dreg:$0x1] =	wrdreg $0xFFFFFFFF  }
0xa7: {  	s28 =	simm.s32 $_size_execute0_lowered;
	s2 =	sadd.s32 s2, s4;
	[dreg:$0x0] =	wrdreg $0x0  }
0xa8: {  	s4 =	sshll.u32 s28, $0x1;
	[dreg:$0x2] =	wrdreg s2  }
0xa9: {  	[dreg:$0x3] =	wrdreg s4  }
0xaa: {  	[dreg:$0x4] =	wrdreg $0xC0  }
0xab: {  	_ =	task [dreg:s6], $0x5FFFF  }
0xac: {  	[dreg:$0x1] =	wrdreg $0xFFFFFFFF  }
0xad: {  	[dreg:$0x0] =	wrdreg $0x60  }
0xae: {  	[dreg:$0x2] =	wrdreg s24  }
0xaf: {  	[dreg:$0x3] =	wrdreg $0x9  }
0xb0: {  	_ =	task.clear_ibuf [dreg:s6], $0x4FFFF;
	_ =	strace $0x90000046  }
0xb1: {  	s29 =	simm.s32 $0x9;
	_ =	strace $0x80000048  }
0xb2: {  	_ =	swait.ge [sflag:s29], $0x1  }
0xb3: {  	[sflag:s29] =	ssyncadd.s32 $0xFFFFFFFF  }
0xb4: {  	_ =	strace $0x90000048  }
0xb5: {  	_ =	sfence  }
0xb6: {  	s30 =	sld [smem:$0x0];
	_ =	sdelay $0x2  }
0xb7: {  	s31 =	sshll.u32 s1, $0xD;
	s1 =	sshrl.u32 s1, $0x2  }
0xb8: {  	s3 =	sand.u32 $0x4000, s31;
	s1 =	sadd.s32 s1, s30  }
0xb9: {  	s0 =	sor.u32 s3, s0;
	s1 =	sshll.u32 s1, $0x11  }
0xba: {  	s0 =	sor.u32 s1, s0  }
0xbb: {  	s0 =	sadd.s32 $0x8F2B, s0  }
0xbc: {  	[sflag:s0] =	ssyncadd.remote.s32 $0x1  }
0xbd: {  	_ =	sfence.sel $0xFFFF  }
0xbe: {  	[dreg:$0x0] =	wrdreg $0xFFFFFFFF;
	(pc) =	sbr.abs _section_cstart, $3  }
0xbf: {  	[dreg:$0x1] =	wrdreg $0xFFFFFFFF  }
0xc0: {  	_ =	task.clear_ibuf [dreg:s6], $0x2FFFF;
	_ =	strace $0x9FFFFFFF  }
0xc1: {  	(tm) =	ssettm $0x7FFFFFFF  }
tec
execute0_lowered:
.L_overlay_start_1:
0x0: {  	(tag) =	ssettag $0x1  }
0x1: {  	s0 =	srdreg.scid  }
0x2: {  	s25 =	sand.u32 $0x1, s0;
	s0 =	stileid.u32  }
0x3: {  	s2 =	sshll.u32 s0, $0x1;
	s3 =	ssub.s32 $0x0, s25  }
0x4: {  	p0 =	sne.s32 s2, s3  }
.Ltmp0:
0x5: {  	_ = 	snop;
	(pc) =	sbr.rel @p0 .LBB2_4-.Ltmp0, $3  }
0x6: {  	_ =	sdelay $0x1  }
0x7: {  	s24 =	rddreg [dreg:$0x0]  }
0x8: {  	s1 =	rddreg [dreg:$0x1];
	_ =	strace $0x80000047  }
0x9: {  	s4 =	sadd.s32 $0xE00, s24;
	s3 =	simm.s32 $0x0;
	s2 =	simm.s32 $0x2  }
0xa: {  	[tilespmem:s3], [sflag:$0x2] =	stream.linear.gather [hbm4b:s4+s3], $0x80, $0x38;
	[tilespmem:$0x900] =	vst v63  }
0xb: {  	_ =	swait.ge [sflag:s2], $0x80  }
0xc: {  	[sflag:s2] =	ssyncset.done $0x0  }
0xd: {  	[sflag:s2] =	ssyncadd.s32 $0xFFFFFF80  }
0xe: {  	v0 =	vld [tilespmem:$0x0];
	_ =	sdelay $0x4  }
0xf: {  	vm0 =	vgt.s32 v0, $0x0;
	v0 =	vadd.s32 $0xFFFFFFFF, v0  }
0x10: {  	s5 =	sadd.s32 $0x1600, s24;
	v0 =	vnsel vm0, $0x3E8, v0  }
0x11: {  	s6 =	simm.s32 $0x10;
	s7 =	simm.s32 $0x100;
	s8 =	simm.s32 $0x1;
	[tilespmem:$0x80] =	vst v0  }
0x12: {  	[tilespmem:s7], [sflag:$0x1] =	stream.indirect.gather [hbm4b:s5+s6], $0x1, s3, s6, $0xb8;
	[tilespmem:$0x900] =	vst v63  }
0x13: {  	_ =	swait.ge [sflag:s8], $0x10  }
0x14: {  	[sflag:s8] =	ssyncset.done $0x0  }
0x15: {  	s9 =	sadd.s32 $0x1400, s24;
	s10 =	simm.s32 $0x180;
	[sflag:s8] =	ssyncadd.s32 $0xFFFFFFF0  }
0x16: {  	[tilespmem:s10], [sflag:$0x1] =	stream.indirect.gather [hbm4b:s9+s6], $0x1, s3, s6, $0xb8;
	[tilespmem:$0x900] =	vst v63  }
0x17: {  	_ =	swait.ge [sflag:s8], $0x10  }
0x18: {  	[sflag:s8] =	ssyncset.done $0x0  }
0x19: {  	s11 =	sadd.s32 $0x1200, s24;
	s12 =	simm.s32 $0x200;
	[sflag:s8] =	ssyncadd.s32 $0xFFFFFFF0  }
0x1a: {  	[tilespmem:s12], [sflag:$0x1] =	stream.indirect.gather [hbm4b:s11+s6], $0x1, s3, s6, $0xb8;
	[tilespmem:$0x900] =	vst v63  }
0x1b: {  	_ =	swait.ge [sflag:s8], $0x10  }
0x1c: {  	[sflag:s8] =	ssyncset.done $0x0  }
0x1d: {  	s13 =	sadd.s32 $0x1000, s24;
	s14 =	simm.s32 $0x280;
	[sflag:s8] =	ssyncadd.s32 $0xFFFFFFF0  }
0x1e: {  	[tilespmem:s14], [sflag:$0x1] =	stream.indirect.gather [hbm4b:s13+s6], $0x1, s3, s6, $0xb8;
	[tilespmem:$0x900] =	vst v63  }
0x1f: {  	_ =	swait.ge [sflag:s8], $0x10  }
0x20: {  	s15 =	sadd.s32 $0x1E00, s24;
	[sflag:s8] =	ssyncset.done $0x0  }
0x21: {  	s16 =	simm.s32 $0x80;
	s17 =	simm.s32 $0x300;
	[sflag:s8] =	ssyncadd.s32 $0xFFFFFFF0  }
0x22: {  	[tilespmem:s17], [sflag:$0x1] =	stream.indirect.gather [hbm4b:s15+s6], $0x1, s16, s6, $0xb8;
	[tilespmem:$0x900] =	vst v63  }
0x23: {  	_ =	swait.ge [sflag:s8], $0x10  }
0x24: {  	[sflag:s8] =	ssyncset.done $0x0  }
0x25: {  	s18 =	sadd.s32 $0x1C00, s24;
	s19 =	simm.s32 $0x380;
	[sflag:s8] =	ssyncadd.s32 $0xFFFFFFF0  }
0x26: {  	[tilespmem:s19], [sflag:$0x1] =	stream.indirect.gather [hbm4b:s18+s6], $0x1, s16, s6, $0xb8;
	[tilespmem:$0x900] =	vst v63  }
0x27: {  	_ =	swait.ge [sflag:s8], $0x10  }
0x28: {  	[sflag:s8] =	ssyncset.done $0x0  }
0x29: {  	s20 =	sadd.s32 $0x1A00, s24;
	s21 =	simm.s32 $0x400;
	[sflag:s8] =	ssyncadd.s32 $0xFFFFFFF0  }
0x2a: {  	[tilespmem:s21], [sflag:$0x1] =	stream.indirect.gather [hbm4b:s20+s6], $0x1, s16, s6, $0xb8;
	[tilespmem:$0x900] =	vst v63  }
0x2b: {  	_ =	swait.ge [sflag:s8], $0x10  }
0x2c: {  	[sflag:s8] =	ssyncset.done $0x0  }
0x2d: {  	s22 =	sadd.s32 $0x1800, s24;
	s23 =	simm.s32 $0x480;
	[sflag:s8] =	ssyncadd.s32 $0xFFFFFFF0  }
0x2e: {  	[tilespmem:s23], [sflag:$0x1] =	stream.indirect.gather [hbm4b:s22+s6], $0x1, s16, s6, $0xb8;
	[tilespmem:$0x900] =	vst v63  }
0x2f: {  	_ =	swait.ge [sflag:s8], $0x10  }
0x30: {  	[sflag:s8] =	ssyncset.done $0x0  }
0x31: {  	[sflag:s8] =	ssyncadd.s32 $0xFFFFFFF0  }
0x32: {  	v0 =	vld [tilespmem:$0x200]  }
0x33: {  	v2 =	vld [tilespmem:$0x300]  }
0x34: {  	v3 =	vld [tilespmem:$0x380]  }
0x35: {  	v1 =	vld [tilespmem:$0x100];
	_ =	sdelay $0x1  }
0x36: {  	v5 =	vld [tilespmem:$0x480]  }
0x37: {  	v6 =	vld [tilespmem:$0x400]  }
0x38: {  	v9 =	vld [tilespmem:$0x180]  }
0x39: {  	v10 =	vld [tilespmem:$0x280];
	v7 =	vmul.f32 v3, v0;
	v8 =	vmul.f32 v2, v1;
	_ =	sdelay $0x1  }
0x3a: {  	v4 =	vadd.f32 v7, v8  }
0x3b: {  	v0 =	vmul.f32 v5, v0  }
0x3c: {  	v1 =	vmul.f32 v6, v1;
	(erf) = vrcp.f32 v4  }
0x3d: {  	v4 =	vmul.f32 v2, v9;
	v2 =	vmul.f32 v3, v10  }
0x3e: {  	v5 =	vmul.f32 v5, v10;
	v11 =	vadd.f32 v0, v1;
	v3 =	vmul.f32 v6, v9  }
0x3f: {  	v6 =	vadd.f32 v2, v4  }
0x40: {  	s25 =	ssub.s32 $0x2, s25;
	(erf) = vrcp.f32 v11;
	v9 =	vadd.f32 v5, v3  }
0x41: {  	s26 =	sshrl.u32 s25, $0x1;
	(erf) = vrcp.f32 v6  }
0x42: {  	s25 =	ssub.s32 s25, s26;
	(erf) = vrcp.f32 v9  }
0x43: {  	s26 =	smax.u32 s25, $0x1  }
0x44: {  	p0 =	sne.s32 s26, $0x1  }
.Ltmp1:
0x45: {  	_ = 	snop;
	(pc) =	sbr.rel @!p0 .LBB2_3-.Ltmp1, $3  }
0x46: {  	_ =	sdelay $0x1  }
0x47: {  	v6 =	vpop (erf)  }
0x48: {  	s24 =	sadd.s32 $0x2000, s24;
	s25 =	simm.s32 $0x500;
	s26 =	sadd.s32 $0xFFFFFFFF, s26;
	v8 =	vmul.f32 v6, v8;
	v7 =	vmul.f32 v6, v7;
	v6 =	vpop (erf)  }
.LBB2_2:
0x49: {  	p0 =	sne.s32 s26, $0x1;
	s26 =	sadd.s32 $0xFFFFFFFF, s26;
	v9 =	vpop (erf)  }
0x4a: {  	[tilespmem:$0x500] =	vst v8;
	v4 =	vmul.f32 v9, v4;
	v2 =	vmul.f32 v9, v2;
	v8 =	vpop (erf)  }
0x4b: {  	[tilespmem:$0x580] =	vst v7;
	v3 =	vmul.f32 v8, v3;
	v5 =	vmul.f32 v8, v5  }
0x4c: {  	[tilespmem:$0x700] =	vst v4  }
0x4d: {  	v1 =	vmul.f32 v6, v1;
	[tilespmem:$0x880] =	vst v5  }
0x4e: {  	v0 =	vmul.f32 v6, v0;
	[tilespmem:$0x800] =	vst v3  }
0x4f: {  	[tilespmem:$0x600] =	vst v1  }
0x50: {  	[tilespmem:$0x680] =	vst v0  }
0x51: {  	[tilespmem:$0x780] =	vst v2  }
0x52: {  	[hbm4b:s24+s3] =	stream.linear.scatter [tilespmem:s25], [sflag:$0x2], $0x400, $0x38;
	[tilespmem:$0x900] =	vst v63  }
0x53: {  	_ =	swait.ge [sflag:s2], $0x400  }
0x54: {  	[sflag:s2] =	ssyncset.done $0x0  }
0x55: {  	[sflag:s2] =	ssyncadd.s32 $0xFFFFFC00  }
0x56: {  	[tilespmem:s3], [sflag:$0x2] =	stream.linear.gather [hbm4b:s4+s3], $0x80, $0x38;
	[tilespmem:$0x900] =	vst v63  }
0x57: {  	_ =	swait.ge [sflag:s2], $0x80  }
0x58: {  	[sflag:s2] =	ssyncset.done $0x0  }
0x59: {  	[sflag:s2] =	ssyncadd.s32 $0xFFFFFF80  }
0x5a: {  	v0 =	vld [tilespmem:$0x0];
	_ =	sdelay $0x4  }
0x5b: {  	vm0 =	vgt.s32 v0, $0x0;
	v0 =	vadd.s32 $0xFFFFFFFF, v0  }
0x5c: {  	v0 =	vnsel vm0, $0x3E8, v0  }
0x5d: {  	[tilespmem:$0x80] =	vst v0  }
0x5e: {  	[tilespmem:s7], [sflag:$0x1] =	stream.indirect.gather [hbm4b:s5+s6], $0x1, s3, s6, $0xb8;
	[tilespmem:$0x900] =	vst v63  }
0x5f: {  	_ =	swait.ge [sflag:s8], $0x10  }
0x60: {  	[sflag:s8] =	ssyncset.done $0x0  }
0x61: {  	[sflag:s8] =	ssyncadd.s32 $0xFFFFFFF0  }
0x62: {  	[tilespmem:s10], [sflag:$0x1] =	stream.indirect.gather [hbm4b:s9+s6], $0x1, s3, s6, $0xb8;
	[tilespmem:$0x900] =	vst v63  }
0x63: {  	_ =	swait.ge [sflag:s8], $0x10  }
0x64: {  	[sflag:s8] =	ssyncset.done $0x0  }
0x65: {  	[sflag:s8] =	ssyncadd.s32 $0xFFFFFFF0  }
0x66: {  	[tilespmem:s12], [sflag:$0x1] =	stream.indirect.gather [hbm4b:s11+s6], $0x1, s3, s6, $0xb8;
	[tilespmem:$0x900] =	vst v63  }
0x67: {  	_ =	swait.ge [sflag:s8], $0x10  }
0x68: {  	[sflag:s8] =	ssyncset.done $0x0  }
0x69: {  	[sflag:s8] =	ssyncadd.s32 $0xFFFFFFF0  }
0x6a: {  	[tilespmem:s14], [sflag:$0x1] =	stream.indirect.gather [hbm4b:s13+s6], $0x1, s3, s6, $0xb8;
	[tilespmem:$0x900] =	vst v63  }
0x6b: {  	_ =	swait.ge [sflag:s8], $0x10  }
0x6c: {  	[sflag:s8] =	ssyncset.done $0x0  }
0x6d: {  	[sflag:s8] =	ssyncadd.s32 $0xFFFFFFF0  }
0x6e: {  	[tilespmem:s17], [sflag:$0x1] =	stream.indirect.gather [hbm4b:s15+s6], $0x1, s16, s6, $0xb8;
	[tilespmem:$0x900] =	vst v63  }
0x6f: {  	_ =	swait.ge [sflag:s8], $0x10  }
0x70: {  	[sflag:s8] =	ssyncset.done $0x0  }
0x71: {  	[sflag:s8] =	ssyncadd.s32 $0xFFFFFFF0  }
0x72: {  	[tilespmem:s19], [sflag:$0x1] =	stream.indirect.gather [hbm4b:s18+s6], $0x1, s16, s6, $0xb8;
	[tilespmem:$0x900] =	vst v63  }
0x73: {  	_ =	swait.ge [sflag:s8], $0x10  }
0x74: {  	[sflag:s8] =	ssyncset.done $0x0  }
0x75: {  	[sflag:s8] =	ssyncadd.s32 $0xFFFFFFF0  }
0x76: {  	[tilespmem:s21], [sflag:$0x1] =	stream.indirect.gather [hbm4b:s20+s6], $0x1, s16, s6, $0xb8;
	[tilespmem:$0x900] =	vst v63  }
0x77: {  	_ =	swait.ge [sflag:s8], $0x10  }
0x78: {  	[sflag:s8] =	ssyncset.done $0x0  }
0x79: {  	[sflag:s8] =	ssyncadd.s32 $0xFFFFFFF0  }
0x7a: {  	[tilespmem:s23], [sflag:$0x1] =	stream.indirect.gather [hbm4b:s22+s6], $0x1, s16, s6, $0xb8;
	[tilespmem:$0x900] =	vst v63  }
0x7b: {  	_ =	swait.ge [sflag:s8], $0x10  }
0x7c: {  	[sflag:s8] =	ssyncset.done $0x0  }
0x7d: {  	[sflag:s8] =	ssyncadd.s32 $0xFFFFFFF0  }
0x7e: {  	v5 =	vld [tilespmem:$0x480]  }
0x7f: {  	v2 =	vld [tilespmem:$0x400]  }
0x80: {  	v1 =	vld [tilespmem:$0x200]  }
0x81: {  	v3 =	vld [tilespmem:$0x300]  }
0x82: {  	v6 =	vld [tilespmem:$0x380]  }
0x83: {  	v4 =	vld [tilespmem:$0x100]  }
0x84: {  	v7 =	vld [tilespmem:$0x180]  }
0x85: {  	v8 =	vld [tilespmem:$0x280];
	v0 =	vmul.f32 v5, v1;
	_ =	sdelay $0x1  }
0x86: {  	v9 =	vmul.f32 v6, v1  }
0x87: {  	v10 =	vmul.f32 v3, v4;
	v1 =	vmul.f32 v2, v4  }
0x88: {  	v4 =	vmul.f32 v3, v7;
	v3 =	vmul.f32 v2, v7  }
0x89: {  	v7 =	vadd.f32 v9, v10;
	v2 =	vmul.f32 v6, v8;
	v5 =	vmul.f32 v5, v8  }
0x8a: {  	v6 =	vadd.f32 v0, v1  }
0x8b: {  	v8 =	vadd.f32 v2, v4;
	v11 =	vadd.f32 v5, v3;
	(erf) = vrcp.f32 v7  }
0x8c: {  	(erf) = vrcp.f32 v6  }
0x8d: {  	(erf) = vrcp.f32 v8  }
0x8e: {  	(erf) = vrcp.f32 v11;
	_ =	sdelay $0x2  }
.Ltmp2:
0x8f: {  	(pc) =	sbr.rel @p0 .LBB2_2-.Ltmp2, $3  }
0x90: {  	_ =	sdelay $0x1  }
0x91: {  	v6 =	vpop (erf)  }
0x92: {  	v8 =	vmul.f32 v6, v10;
	v7 =	vmul.f32 v6, v9;
	v6 =	vpop (erf)  }
.LBB2_3:
0x93: {  	_ = 	snop  }
0x94: {  	v1 =	vmul.f32 v6, v1;
	[tilespmem:$0x500] =	vst v8  }
0x95: {  	v9 =	vpop (erf);
	v0 =	vmul.f32 v6, v0;
	[tilespmem:$0x580] =	vst v7  }
0x96: {  	v4 =	vmul.f32 v9, v4;
	[tilespmem:$0x600] =	vst v1  }
0x97: {  	v63 =	vpop (erf);
	v2 =	vmul.f32 v9, v2;
	[tilespmem:$0x680] =	vst v0  }
0x98: {  	v5 =	vmul.f32 v63, v5;
	[tilespmem:$0x700] =	vst v4  }
0x99: {  	v3 =	vmul.f32 v63, v3;
	[tilespmem:$0x780] =	vst v2  }
0x9a: {  	[tilespmem:$0x880] =	vst v5  }
0x9b: {  	[tilespmem:$0x800] =	vst v3  }
0x9c: {  	[hbm4b:s24+s3] =	stream.linear.scatter [tilespmem:s25], [sflag:$0x2], $0x400, $0x38;
	[tilespmem:$0x900] =	vst v63  }
0x9d: {  	_ =	swait.ge [sflag:s2], $0x400  }
0x9e: {  	[sflag:s2] =	ssyncset.done $0x0  }
0x9f: {  	[sflag:s2] =	ssyncadd.s32 $0xFFFFFC00  }
.LBB2_4:
0xa0: {  	_ =	sfence.sel $0x180000  }
0xa1: {  	[bflag:$0x0] =	sbarrier.arrive $0xFFFF  }
0xa2: {  	p0 =	sne.s32 s0, $0x0;
	_ =	strace $0x90000047  }
0xa3: {  	s0 =	sadd.s32 @!p0 $0x100000, s1;
	[bflag:$0x2] =	sbarrier.arrive $0xFFFF  }
0xa4: {  	[sflag:s0] =	ssyncadd.tile.s32 @!p0 $0x1;
	_ =	shalt  }
.Lfunc_end2:
_tile_overlayer_lowered:
.L_overlay_start_2:
0xa5: {  	(tag) =	ssettag $0x2  }
0xa6: {  	s0 =	rddreg [dreg:$0x0];
	s2 =	stileid.u32  }
0xa7: {  	s1 =	rddreg [dreg:$0x1];
	p0 =	sne.s32 s2, $0x0  }
0xa8: {  	s3 =	rddreg [dreg:$0x2];
	[bflag:$0x3] =	sbarrier.arrive $0xFFFF;
	s2 =	simm.s32 @!p0 $0x1C02  }
0xa9: {  	[timem:s3], [sflag:s2] =	dma.local @!p0 [hbm:s0], s1  }
0xaa: {  	s0 =	simm.s32 @!p0 $0x2  }
0xab: {  	_ =	swait.ge @!p0 [sflag:s0], s1  }
0xac: {  	s1 =	ssub.s32 @!p0 $0x0, s1;
	[sflag:s0] =	ssyncset.done @!p0 $0x0  }
0xad: {  	[sflag:s0] =	ssyncadd.s32 @!p0 s1  }
0xae: {  	[bflag:$0x3] =	sbarrier.arrive $0xFFFF  }
0xaf: {  	_ =	shalt  }

</sc_bundles>
